<compile_context>
chip_gen: v7x
topology: tpu7x:2x2x1
jax: 0.10.2.dev20260603
libtpu: 0.0.44.dev20260713+nightly
codegen_flags: <defaults>
</compile_context>

<pallas_src>
import functools

import jax
import jax.numpy as jnp
from jax import lax
from jax.experimental import pallas as pl
from jax.experimental.pallas import tpu as pltpu
from jax.experimental.pallas import tpu_sc as plsc

_N = 10000
_E = 320000
_D = 128
_H = 64
_G = 64

_NC = 2
_NS = 16
_NW = _NC * _NS

_N_PAD = 10240
_SEG = _N_PAD // _NS
_EPT = _E // _NW
_K = 80

_mesh = plsc.VectorSubcoreMesh(core_axis_name="c", subcore_axis_name="s")


@functools.partial(
    pl.kernel,
    out_type=jax.ShapeDtypeStruct((_NC, _N_PAD), jnp.float32),
    mesh=_mesh,
    scratch_types=[
        pltpu.VMEM((_N_PAD,), jnp.float32),
        pltpu.VMEM((_EPT // _K, _K), jnp.int32),
        pltpu.VMEM((_SEG,), jnp.float32),
        pltpu.VMEM((_SEG,), jnp.float32),
        pltpu.VMEM_SHARED((_NS, _N_PAD), jnp.float32),
    ],
    compiler_params=pltpu.CompilerParams(
        needs_layout_passes=False, use_tc_tiling_on_sc=False
    ),
)
def _hist_kernel(dst_hbm, out_hbm, hist_v, dstbuf, accv, tmpv, stage):
    c = lax.axis_index("c")
    s = lax.axis_index("s")
    wid = c * _NS + s
    z16 = jnp.zeros((16,), jnp.float32)
    ones16 = jnp.ones((16,), jnp.float32)

    def zero_body(i, carry):
        hist_v[pl.ds(i * 16, 16)] = z16
        return carry

    lax.fori_loop(0, _N_PAD // 16, zero_body, 0)

    pltpu.sync_copy(dst_hbm.at[wid], dstbuf)

    def chunk_body(k, carry):
        def inner(j, c2):
            idx = dstbuf[k, pl.ds(j * 16, 16)]
            plsc.addupdate_scatter(hist_v, [idx], ones16)
            return c2

        lax.fori_loop(0, _K // 16, inner, 0)
        return carry

    lax.fori_loop(0, _EPT // _K, chunk_body, 0)

    pltpu.sync_copy(hist_v, stage.at[s])
    plsc.subcore_barrier()

    seg0 = s * _SEG
    pltpu.sync_copy(stage.at[0, pl.ds(seg0, _SEG)], accv)

    def red_body(t, carry):
        pltpu.sync_copy(stage.at[t, pl.ds(seg0, _SEG)], tmpv)

        def addv(k, c2):
            accv[pl.ds(k * 16, 16)] = accv[pl.ds(k * 16, 16)] + tmpv[pl.ds(k * 16, 16)]
            return c2

        lax.fori_loop(0, _SEG // 16, addv, 0)
        return carry

    lax.fori_loop(1, _NS, red_body, 0)
    pltpu.sync_copy(accv, out_hbm.at[c, pl.ds(seg0, _SEG)])


def _mm_body(x_ref, w_ref, hist_ref, y_ref):
    deg = hist_ref[0, :] + hist_ref[1, :] + 1.0
    dis = lax.rsqrt(deg)
    xw = jnp.dot(x_ref[...], w_ref[...], preferred_element_type=jnp.float32)
    y_ref[...] = xw * dis[:, None]


def _mm_call(x_pad, w, hist):
    return pl.pallas_call(
        _mm_body,
        out_shape=jax.ShapeDtypeStruct((_N_PAD, _H), jnp.float32),
    )(x_pad, w, hist)


_NCHUNK = _EPT // _K


@functools.partial(
    pl.kernel,
    out_type=jax.ShapeDtypeStruct((_NC, _N_PAD, _H), jnp.float32),
    mesh=_mesh,
    scratch_types=[
        pltpu.VMEM((_NCHUNK, _K), jnp.int32),
        pltpu.VMEM((_NCHUNK, _K), jnp.int32),
        pltpu.VMEM((_K, _H), jnp.float32),
        pltpu.VMEM((_K, _H), jnp.float32),
        pltpu.VMEM_SHARED((_N_PAD, _H), jnp.float32),
        pltpu.SemaphoreType.DMA,
        pltpu.SemaphoreType.DMA,
        pltpu.SemaphoreType.DMA,
        pltpu.SemaphoreType.DMA,
    ],
    compiler_params=pltpu.CompilerParams(
        needs_layout_passes=False, use_tc_tiling_on_sc=False
    ),
)
def _edge_kernel(y_hbm, src_hbm, dst_hbm, out_hbm, srcv, dstv, rows0, rows1,
                 acc, semb0, semb1, semc0, semc1):
    c = lax.axis_index("c")
    s = lax.axis_index("s")
    wid = c * _NS + s
    z16 = jnp.zeros((16,), jnp.float32)

    pltpu.sync_copy(src_hbm.at[wid], srcv)
    pltpu.sync_copy(dst_hbm.at[wid], dstv)

    def zero_body(i, carry):
        for j in range(_H // 16):
            rows0[i, pl.ds(j * 16, 16)] = z16
        return carry

    lax.fori_loop(0, _K, zero_body, 0)

    z0 = s * _SEG
    for b in range(_SEG // _K):
        pltpu.sync_copy(rows0, acc.at[pl.ds(z0 + b * _K, _K)])
    plsc.subcore_barrier()

    def gather(i, rows, semb):
        pltpu.async_copy(y_hbm.at[srcv.at[i]], rows, semb)

    def gather_wait(rows, semb):
        pltpu.make_async_copy(y_hbm.at[pl.ds(0, _K)], rows, semb).wait()

    def scatter(i, rows, semc):
        pltpu.async_copy(rows, acc.at[dstv.at[i]], semc, add=True)

    def scatter_wait(rows, semc):
        pltpu.make_async_copy(rows, y_hbm.at[pl.ds(0, _K)], semc).wait()

    gather(0, rows0, semb0)
    gather_wait(rows0, semb0)
    scatter(0, rows0, semc0)
    gather(1, rows1, semb1)
    gather_wait(rows1, semb1)
    scatter(1, rows1, semc1)
    scatter_wait(rows0, semc0)
    gather(2, rows0, semb0)

    def body(t, carry):
        i0 = 2 * t
        gather_wait(rows0, semb0)
        scatter(i0, rows0, semc0)
        scatter_wait(rows1, semc1)
        gather(i0 + 1, rows1, semb1)
        gather_wait(rows1, semb1)
        scatter(i0 + 1, rows1, semc1)
        scatter_wait(rows0, semc0)
        gather(i0 + 2, rows0, semb0)
        return carry

    lax.fori_loop(1, (_NCHUNK - 1) // 2, body, 0)

    gather_wait(rows0, semb0)
    scatter(_NCHUNK - 1, rows0, semc0)
    scatter_wait(rows1, semc1)
    scatter_wait(rows0, semc0)
    plsc.subcore_barrier()

    pltpu.sync_copy(acc.at[pl.ds(z0, _SEG)], out_hbm.at[c, pl.ds(z0, _SEG)])


def _fin_body(y_ref, a0_ref, a1_ref, hist_ref, bg_ref, wc_ref, bc_ref, bt_ref,
              out_ref):
    deg = hist_ref[0, :] + hist_ref[1, :] + 1.0
    dis = lax.rsqrt(deg)
    t = (y_ref[...] + a0_ref[...] + a1_ref[...]) * dis[:, None] + bg_ref[...]
    h = jnp.maximum(t, 0.0)
    cvec = jnp.dot(h, wc_ref[...], preferred_element_type=jnp.float32)
    gid = lax.broadcasted_iota(jnp.int32, (_G, _N_PAD), 0)
    onehot_t = jnp.where(bt_ref[...] == gid, 1.0, 0.0)
    out_ref[...] = (
        jnp.dot(onehot_t, cvec, preferred_element_type=jnp.float32) + bc_ref[...]
    )


def _fin_call(y, a0, a1, hist, bg, wc, bc, bt):
    return pl.pallas_call(
        _fin_body,
        out_shape=jax.ShapeDtypeStruct((_G, 1), jnp.float32),
    )(y, a0, a1, hist, bg, wc, bc, bt)


def kernel(x_sem, edge_index, batch_index, W_gcn, b_gcn, W_cls, b_cls):
    src = edge_index[0].reshape(_NW, _NCHUNK, _K)
    dst = edge_index[1].reshape(_NW, _NCHUNK, _K)
    x_pad = jnp.pad(x_sem, ((0, _N_PAD - _N), (0, 0)))
    batch_pad = jnp.pad(batch_index, (0, _N_PAD - _N), constant_values=_G)

    hist = _hist_kernel(dst)
    y = _mm_call(x_pad, W_gcn, hist)
    acc = _edge_kernel(y, src, dst)
    logits = _fin_call(
        y,
        acc[0],
        acc[1],
        hist,
        b_gcn[None, :],
        W_cls,
        b_cls[None, :],
        batch_pad[None, :],
    )
    return jnp.squeeze(logits)

# --- scband reference (transcript-rebuilt; emitter-appended) ---
"""Pipeline reference for scband-standard-gcn-7103875908245 (READ-ONLY COPY).

The authoritative reference and input builder live on the scoring server;
editing this copy changes nothing except your own understanding.
"""

import jax, jax.numpy as jnp
import numpy as np

N = 10000
E = 320000
D = 128
H = 64
G = 64  # number of graphs in the batch


def setup_inputs(seed: int = 0) -> dict:
    key = jax.random.key(seed)
    k1, k2, k3, k4, k5, k6, k7 = jax.random.split(key, 7)
    x_sem = jax.random.normal(k1, (N, D), dtype=jnp.float32)
    edge_index = jax.random.randint(k2, (2, E), 0, N, dtype=jnp.int32)
    batch_index = jnp.sort(jax.random.randint(k3, (N,), 0, G, dtype=jnp.int32))
    # GCNConv params (weight [D, H], bias [H]) -- glorot-ish init
    W_gcn = jax.random.normal(k4, (D, H), dtype=jnp.float32) * (1.0 / np.sqrt(D))
    b_gcn = jnp.zeros((H,), dtype=jnp.float32)
    # classifier Linear(H, 1)
    W_cls = jax.random.normal(k5, (H, 1), dtype=jnp.float32) * (1.0 / np.sqrt(H))
    b_cls = jnp.zeros((1,), dtype=jnp.float32)
    return {
        "x_sem": x_sem,
        "edge_index": edge_index,
        "batch_index": batch_index,
        "W_gcn": W_gcn,
        "b_gcn": b_gcn,
        "W_cls": W_cls,
        "b_cls": b_cls,
    }


def _gcn_conv(x, edge_index, W, b):
    # Faithful PyG GCNConv: add self-loops, symmetric normalization, scatter-add aggregation
    num_nodes = x.shape[0]
    src = edge_index[0]
    dst = edge_index[1]
    loop = jnp.arange(num_nodes, dtype=src.dtype)
    src = jnp.concatenate([src, loop])
    dst = jnp.concatenate([dst, loop])
    ones = jnp.ones(src.shape[0], dtype=x.dtype)
    deg = jax.ops.segment_sum(ones, dst, num_segments=num_nodes)
    deg_inv_sqrt = jnp.where(deg > 0, jax.lax.rsqrt(jnp.maximum(deg, 1e-12)), 0.0)
    norm = deg_inv_sqrt[src] * deg_inv_sqrt[dst]
    xw = x @ W  # dense transform first (PyG default)
    msgs = xw[src] * norm[:, None]  # gather + scale
    out = jax.ops.segment_sum(msgs, dst, num_segments=num_nodes)  # scatter-add
    return out + b


def reference(x_sem, edge_index, batch_index, W_gcn, b_gcn, W_cls, b_cls):
    h = jax.nn.relu(_gcn_conv(x_sem, edge_index, W_gcn, b_gcn))
    # global_add_pool: segment-sum over graph ids
    z_graph = jax.ops.segment_sum(h, batch_index, num_segments=G)
    logits = z_graph @ W_cls + b_cls
    return jnp.squeeze(logits)

if __name__ == "__main__":
    import jax
    _d = setup_inputs()
    print(jax.jit(kernel)(*tuple(_d.values())))

</pallas_src>

<mosaic_0001>
#map = affine_map<(d0, d1) -> (0, 0)>
#map1 = affine_map<(d0, d1) -> (0, 0, 0)>
module attributes {stable_mosaic.version = 14 : i64} {
  func.func @_edge_kernel(%arg0: i32, %arg1: i32, %arg2: memref<10240x64xf32, #tpu.memory_space<hbm>>, %arg3: memref<32x125x80xi32, #tpu.memory_space<hbm>>, %arg4: memref<32x125x80xi32, #tpu.memory_space<hbm>>, %arg5: memref<2x10240x64xf32, #tpu.memory_space<hbm>>, %arg6: memref<125x80xi32, #tpu.memory_space<vmem>>, %arg7: memref<125x80xi32, #tpu.memory_space<vmem>>, %arg8: memref<80x64xf32, #tpu.memory_space<vmem>>, %arg9: memref<80x64xf32, #tpu.memory_space<vmem>>, %arg10: memref<10240x64xf32, #tpu.memory_space<vmem_shared>>, %arg11: memref<!tpu.dma_semaphore, #tpu.memory_space<semaphore_mem>>, %arg12: memref<!tpu.dma_semaphore, #tpu.memory_space<semaphore_mem>>, %arg13: memref<!tpu.dma_semaphore, #tpu.memory_space<semaphore_mem>>, %arg14: memref<!tpu.dma_semaphore, #tpu.memory_space<semaphore_mem>>) attributes {dimension_semantics = [#tpu.dimension_semantics<core_parallel>, #tpu.dimension_semantics<subcore_parallel>], iteration_bounds = array<i64: 2, 16>, scalar_prefetch = 0 : i64, scratch_operands = 9 : i64, tpu.core_type = #tpu.core_type<sc_vector_subcore>, window_params = [{transform_indices = #map}, {transform_indices = #map1}, {transform_indices = #map1}, {transform_indices = #map1}]} {
    %mul3A = arith.constant 16 : i32
    %mul3A_0 = arith.muli %arg0, %mul3A : i32
    %add3A = arith.addi %mul3A_0, %arg1 : i32
    %broadcast_in_dim3A = arith.constant 0.000000e+00 : f32
    %broadcast_in_dim3A_1 = vector.broadcast %broadcast_in_dim3A : f32 to vector<16xf32>
    "tpu.region"() ({
      %run_scoped3A = tpu.sem_alloc : memref<!tpu.dma_semaphore, #tpu.memory_space<semaphore_mem>>
      %dma_start3A_108 = arith.constant 0 : i32
      %dma_start3A_109 = arith.constant 0 : i32
      %dma_start3A_110 = tpu.memref_slice %arg3[%add3A, %dma_start3A_108, %dma_start3A_109] : memref<32x125x80xi32, #tpu.memory_space<hbm>> -> memref<1x125x80xi32, #tpu.memory_space<hbm>>
      %dma_start3A_111 = tpu.memref_squeeze %dma_start3A_110 : memref<1x125x80xi32, #tpu.memory_space<hbm>> -> memref<125x80xi32, #tpu.memory_space<hbm>>
      %dma_start3A_112 = arith.constant 0 : i32
      %dma_start3A_113 = arith.constant 0 : i32
      %dma_start3A_114 = tpu.memref_slice %arg3[%add3A, %dma_start3A_112, %dma_start3A_113] : memref<32x125x80xi32, #tpu.memory_space<hbm>> -> memref<1x125x80xi32, #tpu.memory_space<hbm>>
      %dma_start3A_115 = tpu.memref_squeeze %dma_start3A_114 : memref<1x125x80xi32, #tpu.memory_space<hbm>> -> memref<125x80xi32, #tpu.memory_space<hbm>>
      tpu.enqueue_dma source(%dma_start3A_115 : memref<125x80xi32, #tpu.memory_space<hbm>>) target(%arg6 : memref<125x80xi32, #tpu.memory_space<vmem>>) target_semaphore(%run_scoped3A : memref<!tpu.dma_semaphore, #tpu.memory_space<semaphore_mem>>)
      %dma_wait3A_116 = arith.constant 0 : i32
      %dma_wait3A_117 = arith.constant 0 : i32
      %dma_wait3A_118 = tpu.memref_slice %arg3[%add3A, %dma_wait3A_116, %dma_wait3A_117] : memref<32x125x80xi32, #tpu.memory_space<hbm>> -> memref<1x125x80xi32, #tpu.memory_space<hbm>>
      %dma_wait3A_119 = tpu.memref_squeeze %dma_wait3A_118 : memref<1x125x80xi32, #tpu.memory_space<hbm>> -> memref<125x80xi32, #tpu.memory_space<hbm>>
      %dma_wait3A_120 = arith.constant 0 : i32
      %dma_wait3A_121 = arith.constant 0 : i32
      %dma_wait3A_122 = tpu.memref_slice %arg3[%add3A, %dma_wait3A_120, %dma_wait3A_121] : memref<32x125x80xi32, #tpu.memory_space<hbm>> -> memref<1x125x80xi32, #tpu.memory_space<hbm>>
      %dma_wait3A_123 = tpu.memref_squeeze %dma_wait3A_122 : memref<1x125x80xi32, #tpu.memory_space<hbm>> -> memref<125x80xi32, #tpu.memory_space<hbm>>
      tpu.wait_dma2 semaphore(%run_scoped3A : memref<!tpu.dma_semaphore, #tpu.memory_space<semaphore_mem>>) src(%dma_wait3A_123 : memref<125x80xi32, #tpu.memory_space<hbm>>) dst(%arg6 : memref<125x80xi32, #tpu.memory_space<vmem>>)
      tpu.yield
    }) : () -> ()
    "tpu.region"() ({
      %run_scoped3A = tpu.sem_alloc : memref<!tpu.dma_semaphore, #tpu.memory_space<semaphore_mem>>
      %dma_start3A_108 = arith.constant 0 : i32
      %dma_start3A_109 = arith.constant 0 : i32
      %dma_start3A_110 = tpu.memref_slice %arg4[%add3A, %dma_start3A_108, %dma_start3A_109] : memref<32x125x80xi32, #tpu.memory_space<hbm>> -> memref<1x125x80xi32, #tpu.memory_space<hbm>>
      %dma_start3A_111 = tpu.memref_squeeze %dma_start3A_110 : memref<1x125x80xi32, #tpu.memory_space<hbm>> -> memref<125x80xi32, #tpu.memory_space<hbm>>
      %dma_start3A_112 = arith.constant 0 : i32
      %dma_start3A_113 = arith.constant 0 : i32
      %dma_start3A_114 = tpu.memref_slice %arg4[%add3A, %dma_start3A_112, %dma_start3A_113] : memref<32x125x80xi32, #tpu.memory_space<hbm>> -> memref<1x125x80xi32, #tpu.memory_space<hbm>>
      %dma_start3A_115 = tpu.memref_squeeze %dma_start3A_114 : memref<1x125x80xi32, #tpu.memory_space<hbm>> -> memref<125x80xi32, #tpu.memory_space<hbm>>
      tpu.enqueue_dma source(%dma_start3A_115 : memref<125x80xi32, #tpu.memory_space<hbm>>) target(%arg7 : memref<125x80xi32, #tpu.memory_space<vmem>>) target_semaphore(%run_scoped3A : memref<!tpu.dma_semaphore, #tpu.memory_space<semaphore_mem>>)
      %dma_wait3A_116 = arith.constant 0 : i32
      %dma_wait3A_117 = arith.constant 0 : i32
      %dma_wait3A_118 = tpu.memref_slice %arg4[%add3A, %dma_wait3A_116, %dma_wait3A_117] : memref<32x125x80xi32, #tpu.memory_space<hbm>> -> memref<1x125x80xi32, #tpu.memory_space<hbm>>
      %dma_wait3A_119 = tpu.memref_squeeze %dma_wait3A_118 : memref<1x125x80xi32, #tpu.memory_space<hbm>> -> memref<125x80xi32, #tpu.memory_space<hbm>>
      %dma_wait3A_120 = arith.constant 0 : i32
      %dma_wait3A_121 = arith.constant 0 : i32
      %dma_wait3A_122 = tpu.memref_slice %arg4[%add3A, %dma_wait3A_120, %dma_wait3A_121] : memref<32x125x80xi32, #tpu.memory_space<hbm>> -> memref<1x125x80xi32, #tpu.memory_space<hbm>>
      %dma_wait3A_123 = tpu.memref_squeeze %dma_wait3A_122 : memref<1x125x80xi32, #tpu.memory_space<hbm>> -> memref<125x80xi32, #tpu.memory_space<hbm>>
      tpu.wait_dma2 semaphore(%run_scoped3A : memref<!tpu.dma_semaphore, #tpu.memory_space<semaphore_mem>>) src(%dma_wait3A_123 : memref<125x80xi32, #tpu.memory_space<hbm>>) dst(%arg7 : memref<125x80xi32, #tpu.memory_space<vmem>>)
      tpu.yield
    }) : () -> ()
    %scan3A = arith.constant 0 : i32
    %scan3A_2 = arith.constant 0 : i32
    %scan3A_3 = arith.constant 80 : i32
    %scan3A_4 = arith.addi %scan3A_2, %scan3A_3 : i32
    %scan3A_5 = arith.constant 1 : i32
    scf.for %scan3A_108 = %scan3A_2 to %scan3A_4 step %scan3A_5  : i32 {
      %swap3A = arith.index_cast %scan3A_108 : i32 to index
      %swap3A_109 = arith.constant 0 : index
      %swap3A_110 = tpu.vector_load %arg8[%swap3A, %swap3A_109] {strides = array<i32>} : memref<80x64xf32, #tpu.memory_space<vmem>>, vector<16xf32>,
      tpu.vector_store %arg8[%swap3A, %swap3A_109], %broadcast_in_dim3A_1 {strides = array<i32>} : memref<80x64xf32, #tpu.memory_space<vmem>>, vector<16xf32>,
      %swap3A_111 = arith.index_cast %scan3A_108 : i32 to index
      %swap3A_112 = arith.constant 16 : index
      %swap3A_113 = tpu.vector_load %arg8[%swap3A_111, %swap3A_112] {strides = array<i32>} : memref<80x64xf32, #tpu.memory_space<vmem>>, vector<16xf32>,
      tpu.vector_store %arg8[%swap3A_111, %swap3A_112], %broadcast_in_dim3A_1 {strides = array<i32>} : memref<80x64xf32, #tpu.memory_space<vmem>>, vector<16xf32>,
      %swap3A_114 = arith.index_cast %scan3A_108 : i32 to index
      %swap3A_115 = arith.constant 32 : index
      %swap3A_116 = tpu.vector_load %arg8[%swap3A_114, %swap3A_115] {strides = array<i32>} : memref<80x64xf32, #tpu.memory_space<vmem>>, vector<16xf32>,
      tpu.vector_store %arg8[%swap3A_114, %swap3A_115], %broadcast_in_dim3A_1 {strides = array<i32>} : memref<80x64xf32, #tpu.memory_space<vmem>>, vector<16xf32>,
      %swap3A_117 = arith.index_cast %scan3A_108 : i32 to index
      %swap3A_118 = arith.constant 48 : index
      %swap3A_119 = tpu.vector_load %arg8[%swap3A_117, %swap3A_118] {strides = array<i32>} : memref<80x64xf32, #tpu.memory_space<vmem>>, vector<16xf32>,
      tpu.vector_store %arg8[%swap3A_117, %swap3A_118], %broadcast_in_dim3A_1 {strides = array<i32>} : memref<80x64xf32, #tpu.memory_space<vmem>>, vector<16xf32>,
    }
    %scan3A_6 = arith.constant 80 : i32
    %mul3A_7 = arith.constant 640 : i32
    %mul3A_8 = arith.muli %arg1, %mul3A_7 : i32
    %add3A_9 = arith.constant 0 : i32
    %add3A_10 = arith.addi %mul3A_8, %add3A_9 : i32
    "tpu.region"() ({
      %run_scoped3A = tpu.sem_alloc : memref<!tpu.dma_semaphore, #tpu.memory_space<semaphore_mem>>
      %dma_start3A_108 = arith.constant 0 : i32
      %dma_start3A_109 = tpu.memref_slice %arg10[%add3A_10, %dma_start3A_108] : memref<10240x64xf32, #tpu.memory_space<vmem_shared>> -> memref<80x64xf32, #tpu.memory_space<vmem_shared>>
      %dma_start3A_110 = arith.constant 0 : i32
      %dma_start3A_111 = tpu.memref_slice %arg10[%add3A_10, %dma_start3A_110] : memref<10240x64xf32, #tpu.memory_space<vmem_shared>> -> memref<80x64xf32, #tpu.memory_space<vmem_shared>>
      tpu.enqueue_dma source(%arg8 : memref<80x64xf32, #tpu.memory_space<vmem>>) target(%dma_start3A_111 : memref<80x64xf32, #tpu.memory_space<vmem_shared>>) target_semaphore(%run_scoped3A : memref<!tpu.dma_semaphore, #tpu.memory_space<semaphore_mem>>)
      %dma_wait3A_112 = arith.constant 0 : i32
      %dma_wait3A_113 = tpu.memref_slice %arg10[%add3A_10, %dma_wait3A_112] : memref<10240x64xf32, #tpu.memory_space<vmem_shared>> -> memref<80x64xf32, #tpu.memory_space<vmem_shared>>
      %dma_wait3A_114 = arith.constant 0 : i32
      %dma_wait3A_115 = tpu.memref_slice %arg10[%add3A_10, %dma_wait3A_114] : memref<10240x64xf32, #tpu.memory_space<vmem_shared>> -> memref<80x64xf32, #tpu.memory_space<vmem_shared>>
      tpu.wait_dma2 semaphore(%run_scoped3A : memref<!tpu.dma_semaphore, #tpu.memory_space<semaphore_mem>>) src(%arg8 : memref<80x64xf32, #tpu.memory_space<vmem>>) dst(%dma_wait3A_115 : memref<80x64xf32, #tpu.memory_space<vmem_shared>>)
      tpu.yield
    }) : () -> ()
    %add3A_11 = arith.constant 80 : i32
    %add3A_12 = arith.addi %mul3A_8, %add3A_11 : i32
    "tpu.region"() ({
      %run_scoped3A = tpu.sem_alloc : memref<!tpu.dma_semaphore, #tpu.memory_space<semaphore_mem>>
      %dma_start3A_108 = arith.constant 0 : i32
      %dma_start3A_109 = tpu.memref_slice %arg10[%add3A_12, %dma_start3A_108] : memref<10240x64xf32, #tpu.memory_space<vmem_shared>> -> memref<80x64xf32, #tpu.memory_space<vmem_shared>>
      %dma_start3A_110 = arith.constant 0 : i32
      %dma_start3A_111 = tpu.memref_slice %arg10[%add3A_12, %dma_start3A_110] : memref<10240x64xf32, #tpu.memory_space<vmem_shared>> -> memref<80x64xf32, #tpu.memory_space<vmem_shared>>
      tpu.enqueue_dma source(%arg8 : memref<80x64xf32, #tpu.memory_space<vmem>>) target(%dma_start3A_111 : memref<80x64xf32, #tpu.memory_space<vmem_shared>>) target_semaphore(%run_scoped3A : memref<!tpu.dma_semaphore, #tpu.memory_space<semaphore_mem>>)
      %dma_wait3A_112 = arith.constant 0 : i32
      %dma_wait3A_113 = tpu.memref_slice %arg10[%add3A_12, %dma_wait3A_112] : memref<10240x64xf32, #tpu.memory_space<vmem_shared>> -> memref<80x64xf32, #tpu.memory_space<vmem_shared>>
      %dma_wait3A_114 = arith.constant 0 : i32
      %dma_wait3A_115 = tpu.memref_slice %arg10[%add3A_12, %dma_wait3A_114] : memref<10240x64xf32, #tpu.memory_space<vmem_shared>> -> memref<80x64xf32, #tpu.memory_space<vmem_shared>>
      tpu.wait_dma2 semaphore(%run_scoped3A : memref<!tpu.dma_semaphore, #tpu.memory_space<semaphore_mem>>) src(%arg8 : memref<80x64xf32, #tpu.memory_space<vmem>>) dst(%dma_wait3A_115 : memref<80x64xf32, #tpu.memory_space<vmem_shared>>)
      tpu.yield
    }) : () -> ()
    %add3A_13 = arith.constant 160 : i32
    %add3A_14 = arith.addi %mul3A_8, %add3A_13 : i32
    "tpu.region"() ({
      %run_scoped3A = tpu.sem_alloc : memref<!tpu.dma_semaphore, #tpu.memory_space<semaphore_mem>>
      %dma_start3A_108 = arith.constant 0 : i32
      %dma_start3A_109 = tpu.memref_slice %arg10[%add3A_14, %dma_start3A_108] : memref<10240x64xf32, #tpu.memory_space<vmem_shared>> -> memref<80x64xf32, #tpu.memory_space<vmem_shared>>
      %dma_start3A_110 = arith.constant 0 : i32
      %dma_start3A_111 = tpu.memref_slice %arg10[%add3A_14, %dma_start3A_110] : memref<10240x64xf32, #tpu.memory_space<vmem_shared>> -> memref<80x64xf32, #tpu.memory_space<vmem_shared>>
      tpu.enqueue_dma source(%arg8 : memref<80x64xf32, #tpu.memory_space<vmem>>) target(%dma_start3A_111 : memref<80x64xf32, #tpu.memory_space<vmem_shared>>) target_semaphore(%run_scoped3A : memref<!tpu.dma_semaphore, #tpu.memory_space<semaphore_mem>>)
      %dma_wait3A_112 = arith.constant 0 : i32
      %dma_wait3A_113 = tpu.memref_slice %arg10[%add3A_14, %dma_wait3A_112] : memref<10240x64xf32, #tpu.memory_space<vmem_shared>> -> memref<80x64xf32, #tpu.memory_space<vmem_shared>>
      %dma_wait3A_114 = arith.constant 0 : i32
      %dma_wait3A_115 = tpu.memref_slice %arg10[%add3A_14, %dma_wait3A_114] : memref<10240x64xf32, #tpu.memory_space<vmem_shared>> -> memref<80x64xf32, #tpu.memory_space<vmem_shared>>
      tpu.wait_dma2 semaphore(%run_scoped3A : memref<!tpu.dma_semaphore, #tpu.memory_space<semaphore_mem>>) src(%arg8 : memref<80x64xf32, #tpu.memory_space<vmem>>) dst(%dma_wait3A_115 : memref<80x64xf32, #tpu.memory_space<vmem_shared>>)
      tpu.yield
    }) : () -> ()
    %add3A_15 = arith.constant 240 : i32
    %add3A_16 = arith.addi %mul3A_8, %add3A_15 : i32
    "tpu.region"() ({
      %run_scoped3A = tpu.sem_alloc : memref<!tpu.dma_semaphore, #tpu.memory_space<semaphore_mem>>
      %dma_start3A_108 = arith.constant 0 : i32
      %dma_start3A_109 = tpu.memref_slice %arg10[%add3A_16, %dma_start3A_108] : memref<10240x64xf32, #tpu.memory_space<vmem_shared>> -> memref<80x64xf32, #tpu.memory_space<vmem_shared>>
      %dma_start3A_110 = arith.constant 0 : i32
      %dma_start3A_111 = tpu.memref_slice %arg10[%add3A_16, %dma_start3A_110] : memref<10240x64xf32, #tpu.memory_space<vmem_shared>> -> memref<80x64xf32, #tpu.memory_space<vmem_shared>>
      tpu.enqueue_dma source(%arg8 : memref<80x64xf32, #tpu.memory_space<vmem>>) target(%dma_start3A_111 : memref<80x64xf32, #tpu.memory_space<vmem_shared>>) target_semaphore(%run_scoped3A : memref<!tpu.dma_semaphore, #tpu.memory_space<semaphore_mem>>)
      %dma_wait3A_112 = arith.constant 0 : i32
      %dma_wait3A_113 = tpu.memref_slice %arg10[%add3A_16, %dma_wait3A_112] : memref<10240x64xf32, #tpu.memory_space<vmem_shared>> -> memref<80x64xf32, #tpu.memory_space<vmem_shared>>
      %dma_wait3A_114 = arith.constant 0 : i32
      %dma_wait3A_115 = tpu.memref_slice %arg10[%add3A_16, %dma_wait3A_114] : memref<10240x64xf32, #tpu.memory_space<vmem_shared>> -> memref<80x64xf32, #tpu.memory_space<vmem_shared>>
      tpu.wait_dma2 semaphore(%run_scoped3A : memref<!tpu.dma_semaphore, #tpu.memory_space<semaphore_mem>>) src(%arg8 : memref<80x64xf32, #tpu.memory_space<vmem>>) dst(%dma_wait3A_115 : memref<80x64xf32, #tpu.memory_space<vmem_shared>>)
      tpu.yield
    }) : () -> ()
    %add3A_17 = arith.constant 320 : i32
    %add3A_18 = arith.addi %mul3A_8, %add3A_17 : i32
    "tpu.region"() ({
      %run_scoped3A = tpu.sem_alloc : memref<!tpu.dma_semaphore, #tpu.memory_space<semaphore_mem>>
      %dma_start3A_108 = arith.constant 0 : i32
      %dma_start3A_109 = tpu.memref_slice %arg10[%add3A_18, %dma_start3A_108] : memref<10240x64xf32, #tpu.memory_space<vmem_shared>> -> memref<80x64xf32, #tpu.memory_space<vmem_shared>>
      %dma_start3A_110 = arith.constant 0 : i32
      %dma_start3A_111 = tpu.memref_slice %arg10[%add3A_18, %dma_start3A_110] : memref<10240x64xf32, #tpu.memory_space<vmem_shared>> -> memref<80x64xf32, #tpu.memory_space<vmem_shared>>
      tpu.enqueue_dma source(%arg8 : memref<80x64xf32, #tpu.memory_space<vmem>>) target(%dma_start3A_111 : memref<80x64xf32, #tpu.memory_space<vmem_shared>>) target_semaphore(%run_scoped3A : memref<!tpu.dma_semaphore, #tpu.memory_space<semaphore_mem>>)
      %dma_wait3A_112 = arith.constant 0 : i32
      %dma_wait3A_113 = tpu.memref_slice %arg10[%add3A_18, %dma_wait3A_112] : memref<10240x64xf32, #tpu.memory_space<vmem_shared>> -> memref<80x64xf32, #tpu.memory_space<vmem_shared>>
      %dma_wait3A_114 = arith.constant 0 : i32
      %dma_wait3A_115 = tpu.memref_slice %arg10[%add3A_18, %dma_wait3A_114] : memref<10240x64xf32, #tpu.memory_space<vmem_shared>> -> memref<80x64xf32, #tpu.memory_space<vmem_shared>>
      tpu.wait_dma2 semaphore(%run_scoped3A : memref<!tpu.dma_semaphore, #tpu.memory_space<semaphore_mem>>) src(%arg8 : memref<80x64xf32, #tpu.memory_space<vmem>>) dst(%dma_wait3A_115 : memref<80x64xf32, #tpu.memory_space<vmem_shared>>)
      tpu.yield
    }) : () -> ()
    %add3A_19 = arith.constant 400 : i32
    %add3A_20 = arith.addi %mul3A_8, %add3A_19 : i32
    "tpu.region"() ({
      %run_scoped3A = tpu.sem_alloc : memref<!tpu.dma_semaphore, #tpu.memory_space<semaphore_mem>>
      %dma_start3A_108 = arith.constant 0 : i32
      %dma_start3A_109 = tpu.memref_slice %arg10[%add3A_20, %dma_start3A_108] : memref<10240x64xf32, #tpu.memory_space<vmem_shared>> -> memref<80x64xf32, #tpu.memory_space<vmem_shared>>
      %dma_start3A_110 = arith.constant 0 : i32
      %dma_start3A_111 = tpu.memref_slice %arg10[%add3A_20, %dma_start3A_110] : memref<10240x64xf32, #tpu.memory_space<vmem_shared>> -> memref<80x64xf32, #tpu.memory_space<vmem_shared>>
      tpu.enqueue_dma source(%arg8 : memref<80x64xf32, #tpu.memory_space<vmem>>) target(%dma_start3A_111 : memref<80x64xf32, #tpu.memory_space<vmem_shared>>) target_semaphore(%run_scoped3A : memref<!tpu.dma_semaphore, #tpu.memory_space<semaphore_mem>>)
      %dma_wait3A_112 = arith.constant 0 : i32
      %dma_wait3A_113 = tpu.memref_slice %arg10[%add3A_20, %dma_wait3A_112] : memref<10240x64xf32, #tpu.memory_space<vmem_shared>> -> memref<80x64xf32, #tpu.memory_space<vmem_shared>>
      %dma_wait3A_114 = arith.constant 0 : i32
      %dma_wait3A_115 = tpu.memref_slice %arg10[%add3A_20, %dma_wait3A_114] : memref<10240x64xf32, #tpu.memory_space<vmem_shared>> -> memref<80x64xf32, #tpu.memory_space<vmem_shared>>
      tpu.wait_dma2 semaphore(%run_scoped3A : memref<!tpu.dma_semaphore, #tpu.memory_space<semaphore_mem>>) src(%arg8 : memref<80x64xf32, #tpu.memory_space<vmem>>) dst(%dma_wait3A_115 : memref<80x64xf32, #tpu.memory_space<vmem_shared>>)
      tpu.yield
    }) : () -> ()
    %add3A_21 = arith.constant 480 : i32
    %add3A_22 = arith.addi %mul3A_8, %add3A_21 : i32
    "tpu.region"() ({
      %run_scoped3A = tpu.sem_alloc : memref<!tpu.dma_semaphore, #tpu.memory_space<semaphore_mem>>
      %dma_start3A_108 = arith.constant 0 : i32
      %dma_start3A_109 = tpu.memref_slice %arg10[%add3A_22, %dma_start3A_108] : memref<10240x64xf32, #tpu.memory_space<vmem_shared>> -> memref<80x64xf32, #tpu.memory_space<vmem_shared>>
      %dma_start3A_110 = arith.constant 0 : i32
      %dma_start3A_111 = tpu.memref_slice %arg10[%add3A_22, %dma_start3A_110] : memref<10240x64xf32, #tpu.memory_space<vmem_shared>> -> memref<80x64xf32, #tpu.memory_space<vmem_shared>>
      tpu.enqueue_dma source(%arg8 : memref<80x64xf32, #tpu.memory_space<vmem>>) target(%dma_start3A_111 : memref<80x64xf32, #tpu.memory_space<vmem_shared>>) target_semaphore(%run_scoped3A : memref<!tpu.dma_semaphore, #tpu.memory_space<semaphore_mem>>)
      %dma_wait3A_112 = arith.constant 0 : i32
      %dma_wait3A_113 = tpu.memref_slice %arg10[%add3A_22, %dma_wait3A_112] : memref<10240x64xf32, #tpu.memory_space<vmem_shared>> -> memref<80x64xf32, #tpu.memory_space<vmem_shared>>
      %dma_wait3A_114 = arith.constant 0 : i32
      %dma_wait3A_115 = tpu.memref_slice %arg10[%add3A_22, %dma_wait3A_114] : memref<10240x64xf32, #tpu.memory_space<vmem_shared>> -> memref<80x64xf32, #tpu.memory_space<vmem_shared>>
      tpu.wait_dma2 semaphore(%run_scoped3A : memref<!tpu.dma_semaphore, #tpu.memory_space<semaphore_mem>>) src(%arg8 : memref<80x64xf32, #tpu.memory_space<vmem>>) dst(%dma_wait3A_115 : memref<80x64xf32, #tpu.memory_space<vmem_shared>>)
      tpu.yield
    }) : () -> ()
    %add3A_23 = arith.constant 560 : i32
    %add3A_24 = arith.addi %mul3A_8, %add3A_23 : i32
    "tpu.region"() ({
      %run_scoped3A = tpu.sem_alloc : memref<!tpu.dma_semaphore, #tpu.memory_space<semaphore_mem>>
      %dma_start3A_108 = arith.constant 0 : i32
      %dma_start3A_109 = tpu.memref_slice %arg10[%add3A_24, %dma_start3A_108] : memref<10240x64xf32, #tpu.memory_space<vmem_shared>> -> memref<80x64xf32, #tpu.memory_space<vmem_shared>>
      %dma_start3A_110 = arith.constant 0 : i32
      %dma_start3A_111 = tpu.memref_slice %arg10[%add3A_24, %dma_start3A_110] : memref<10240x64xf32, #tpu.memory_space<vmem_shared>> -> memref<80x64xf32, #tpu.memory_space<vmem_shared>>
      tpu.enqueue_dma source(%arg8 : memref<80x64xf32, #tpu.memory_space<vmem>>) target(%dma_start3A_111 : memref<80x64xf32, #tpu.memory_space<vmem_shared>>) target_semaphore(%run_scoped3A : memref<!tpu.dma_semaphore, #tpu.memory_space<semaphore_mem>>)
      %dma_wait3A_112 = arith.constant 0 : i32
      %dma_wait3A_113 = tpu.memref_slice %arg10[%add3A_24, %dma_wait3A_112] : memref<10240x64xf32, #tpu.memory_space<vmem_shared>> -> memref<80x64xf32, #tpu.memory_space<vmem_shared>>
      %dma_wait3A_114 = arith.constant 0 : i32
      %dma_wait3A_115 = tpu.memref_slice %arg10[%add3A_24, %dma_wait3A_114] : memref<10240x64xf32, #tpu.memory_space<vmem_shared>> -> memref<80x64xf32, #tpu.memory_space<vmem_shared>>
      tpu.wait_dma2 semaphore(%run_scoped3A : memref<!tpu.dma_semaphore, #tpu.memory_space<semaphore_mem>>) src(%arg8 : memref<80x64xf32, #tpu.memory_space<vmem>>) dst(%dma_wait3A_115 : memref<80x64xf32, #tpu.memory_space<vmem_shared>>)
      tpu.yield
    }) : () -> ()
    %barrier3A = arith.constant 0 : index
    tpu.barrier barrier_id(%barrier3A)
    %dma_start3A = arith.constant 0 : i32
    %dma_start3A_25 = arith.constant 0 : i32
    %dma_start3A_26 = tpu.memref_slice %arg6[%dma_start3A, %dma_start3A_25] : memref<125x80xi32, #tpu.memory_space<vmem>> -> memref<1x80xi32, #tpu.memory_space<vmem>>
    %dma_start3A_27 = tpu.memref_squeeze %dma_start3A_26 : memref<1x80xi32, #tpu.memory_space<vmem>> -> memref<80xi32, #tpu.memory_space<vmem>>
    %dma_start3A_28 = arith.constant 0 : i32
    %dma_start3A_29 = arith.constant 0 : i32
    %dma_start3A_30 = tpu.memref_slice %arg2[%dma_start3A_28, %dma_start3A_29] : memref<10240x64xf32, #tpu.memory_space<hbm>> -> memref<10240x64xf32, #tpu.memory_space<hbm>>
    tpu.enqueue_indirect_dma source(%dma_start3A_30 : memref<10240x64xf32, #tpu.memory_space<hbm>>) target(%arg8 : memref<80x64xf32, #tpu.memory_space<vmem>>) offsets(%dma_start3A_27 : memref<80xi32, #tpu.memory_space<vmem>>) semaphore(%arg11 : memref<!tpu.dma_semaphore, #tpu.memory_space<semaphore_mem>>)
    %dma_wait3A = arith.constant 0 : i32
    %dma_wait3A_31 = arith.constant 0 : i32
    %dma_wait3A_32 = tpu.memref_slice %arg2[%dma_wait3A, %dma_wait3A_31] : memref<10240x64xf32, #tpu.memory_space<hbm>> -> memref<80x64xf32, #tpu.memory_space<hbm>>
    %dma_wait3A_33 = arith.constant 0 : i32
    %dma_wait3A_34 = arith.constant 0 : i32
    %dma_wait3A_35 = tpu.memref_slice %arg2[%dma_wait3A_33, %dma_wait3A_34] : memref<10240x64xf32, #tpu.memory_space<hbm>> -> memref<80x64xf32, #tpu.memory_space<hbm>>
    tpu.wait_dma2 semaphore(%arg11 : memref<!tpu.dma_semaphore, #tpu.memory_space<semaphore_mem>>) src(%dma_wait3A_35 : memref<80x64xf32, #tpu.memory_space<hbm>>) dst(%arg8 : memref<80x64xf32, #tpu.memory_space<vmem>>)
    %dma_start3A_36 = arith.constant 0 : i32
    %dma_start3A_37 = arith.constant 0 : i32
    %dma_start3A_38 = tpu.memref_slice %arg7[%dma_start3A_36, %dma_start3A_37] : memref<125x80xi32, #tpu.memory_space<vmem>> -> memref<1x80xi32, #tpu.memory_space<vmem>>
    %dma_start3A_39 = tpu.memref_squeeze %dma_start3A_38 : memref<1x80xi32, #tpu.memory_space<vmem>> -> memref<80xi32, #tpu.memory_space<vmem>>
    %dma_start3A_40 = arith.constant 0 : i32
    %dma_start3A_41 = arith.constant 0 : i32
    %dma_start3A_42 = tpu.memref_slice %arg10[%dma_start3A_40, %dma_start3A_41] : memref<10240x64xf32, #tpu.memory_space<vmem_shared>> -> memref<10240x64xf32, #tpu.memory_space<vmem_shared>>
    tpu.enqueue_indirect_dma source(%arg8 : memref<80x64xf32, #tpu.memory_space<vmem>>) target(%dma_start3A_42 : memref<10240x64xf32, #tpu.memory_space<vmem_shared>>) offsets(%dma_start3A_39 : memref<80xi32, #tpu.memory_space<vmem>>) semaphore(%arg13 : memref<!tpu.dma_semaphore, #tpu.memory_space<semaphore_mem>>) {add = true}
    %dma_start3A_43 = arith.constant 1 : i32
    %dma_start3A_44 = arith.constant 0 : i32
    %dma_start3A_45 = tpu.memref_slice %arg6[%dma_start3A_43, %dma_start3A_44] : memref<125x80xi32, #tpu.memory_space<vmem>> -> memref<1x80xi32, #tpu.memory_space<vmem>>
    %dma_start3A_46 = tpu.memref_squeeze %dma_start3A_45 : memref<1x80xi32, #tpu.memory_space<vmem>> -> memref<80xi32, #tpu.memory_space<vmem>>
    %dma_start3A_47 = arith.constant 0 : i32
    %dma_start3A_48 = arith.constant 0 : i32
    %dma_start3A_49 = tpu.memref_slice %arg2[%dma_start3A_47, %dma_start3A_48] : memref<10240x64xf32, #tpu.memory_space<hbm>> -> memref<10240x64xf32, #tpu.memory_space<hbm>>
    tpu.enqueue_indirect_dma source(%dma_start3A_49 : memref<10240x64xf32, #tpu.memory_space<hbm>>) target(%arg9 : memref<80x64xf32, #tpu.memory_space<vmem>>) offsets(%dma_start3A_46 : memref<80xi32, #tpu.memory_space<vmem>>) semaphore(%arg12 : memref<!tpu.dma_semaphore, #tpu.memory_space<semaphore_mem>>)
    %dma_wait3A_50 = arith.constant 0 : i32
    %dma_wait3A_51 = arith.constant 0 : i32
    %dma_wait3A_52 = tpu.memref_slice %arg2[%dma_wait3A_50, %dma_wait3A_51] : memref<10240x64xf32, #tpu.memory_space<hbm>> -> memref<80x64xf32, #tpu.memory_space<hbm>>
    %dma_wait3A_53 = arith.constant 0 : i32
    %dma_wait3A_54 = arith.constant 0 : i32
    %dma_wait3A_55 = tpu.memref_slice %arg2[%dma_wait3A_53, %dma_wait3A_54] : memref<10240x64xf32, #tpu.memory_space<hbm>> -> memref<80x64xf32, #tpu.memory_space<hbm>>
    tpu.wait_dma2 semaphore(%arg12 : memref<!tpu.dma_semaphore, #tpu.memory_space<semaphore_mem>>) src(%dma_wait3A_55 : memref<80x64xf32, #tpu.memory_space<hbm>>) dst(%arg9 : memref<80x64xf32, #tpu.memory_space<vmem>>)
    %dma_start3A_56 = arith.constant 1 : i32
    %dma_start3A_57 = arith.constant 0 : i32
    %dma_start3A_58 = tpu.memref_slice %arg7[%dma_start3A_56, %dma_start3A_57] : memref<125x80xi32, #tpu.memory_space<vmem>> -> memref<1x80xi32, #tpu.memory_space<vmem>>
    %dma_start3A_59 = tpu.memref_squeeze %dma_start3A_58 : memref<1x80xi32, #tpu.memory_space<vmem>> -> memref<80xi32, #tpu.memory_space<vmem>>
    %dma_start3A_60 = arith.constant 0 : i32
    %dma_start3A_61 = arith.constant 0 : i32
    %dma_start3A_62 = tpu.memref_slice %arg10[%dma_start3A_60, %dma_start3A_61] : memref<10240x64xf32, #tpu.memory_space<vmem_shared>> -> memref<10240x64xf32, #tpu.memory_space<vmem_shared>>
    tpu.enqueue_indirect_dma source(%arg9 : memref<80x64xf32, #tpu.memory_space<vmem>>) target(%dma_start3A_62 : memref<10240x64xf32, #tpu.memory_space<vmem_shared>>) offsets(%dma_start3A_59 : memref<80xi32, #tpu.memory_space<vmem>>) semaphore(%arg14 : memref<!tpu.dma_semaphore, #tpu.memory_space<semaphore_mem>>) {add = true}
    %dma_wait3A_63 = arith.constant 0 : i32
    %dma_wait3A_64 = arith.constant 0 : i32
    %dma_wait3A_65 = tpu.memref_slice %arg2[%dma_wait3A_63, %dma_wait3A_64] : memref<10240x64xf32, #tpu.memory_space<hbm>> -> memref<80x64xf32, #tpu.memory_space<hbm>>
    %dma_wait3A_66 = arith.constant 0 : i32
    %dma_wait3A_67 = arith.constant 0 : i32
    %dma_wait3A_68 = tpu.memref_slice %arg2[%dma_wait3A_66, %dma_wait3A_67] : memref<10240x64xf32, #tpu.memory_space<hbm>> -> memref<80x64xf32, #tpu.memory_space<hbm>>
    tpu.wait_dma2 semaphore(%arg13 : memref<!tpu.dma_semaphore, #tpu.memory_space<semaphore_mem>>) src(%arg8 : memref<80x64xf32, #tpu.memory_space<vmem>>) dst(%dma_wait3A_68 : memref<80x64xf32, #tpu.memory_space<hbm>>)
    %dma_start3A_69 = arith.constant 2 : i32
    %dma_start3A_70 = arith.constant 0 : i32
    %dma_start3A_71 = tpu.memref_slice %arg6[%dma_start3A_69, %dma_start3A_70] : memref<125x80xi32, #tpu.memory_space<vmem>> -> memref<1x80xi32, #tpu.memory_space<vmem>>
    %dma_start3A_72 = tpu.memref_squeeze %dma_start3A_71 : memref<1x80xi32, #tpu.memory_space<vmem>> -> memref<80xi32, #tpu.memory_space<vmem>>
    %dma_start3A_73 = arith.constant 0 : i32
    %dma_start3A_74 = arith.constant 0 : i32
    %dma_start3A_75 = tpu.memref_slice %arg2[%dma_start3A_73, %dma_start3A_74] : memref<10240x64xf32, #tpu.memory_space<hbm>> -> memref<10240x64xf32, #tpu.memory_space<hbm>>
    tpu.enqueue_indirect_dma source(%dma_start3A_75 : memref<10240x64xf32, #tpu.memory_space<hbm>>) target(%arg8 : memref<80x64xf32, #tpu.memory_space<vmem>>) offsets(%dma_start3A_72 : memref<80xi32, #tpu.memory_space<vmem>>) semaphore(%arg11 : memref<!tpu.dma_semaphore, #tpu.memory_space<semaphore_mem>>)
    %scan3A_76 = arith.constant 0 : i32
    %scan3A_77 = arith.constant 1 : i32
    %scan3A_78 = arith.constant 61 : i32
    %scan3A_79 = arith.addi %scan3A_77, %scan3A_78 : i32
    %scan3A_80 = arith.constant 1 : i32
    scf.for %scan3A_108 = %scan3A_77 to %scan3A_79 step %scan3A_80  : i32 {
      %mul3A_109 = arith.constant 2 : i32
      %mul3A_110 = arith.muli %mul3A_109, %scan3A_108 : i32
      %dma_wait3A_111 = arith.constant 0 : i32
      %dma_wait3A_112 = arith.constant 0 : i32
      %dma_wait3A_113 = tpu.memref_slice %arg2[%dma_wait3A_111, %dma_wait3A_112] : memref<10240x64xf32, #tpu.memory_space<hbm>> -> memref<80x64xf32, #tpu.memory_space<hbm>>
      %dma_wait3A_114 = arith.constant 0 : i32
      %dma_wait3A_115 = arith.constant 0 : i32
      %dma_wait3A_116 = tpu.memref_slice %arg2[%dma_wait3A_114, %dma_wait3A_115] : memref<10240x64xf32, #tpu.memory_space<hbm>> -> memref<80x64xf32, #tpu.memory_space<hbm>>
      tpu.wait_dma2 semaphore(%arg11 : memref<!tpu.dma_semaphore, #tpu.memory_space<semaphore_mem>>) src(%dma_wait3A_116 : memref<80x64xf32, #tpu.memory_space<hbm>>) dst(%arg8 : memref<80x64xf32, #tpu.memory_space<vmem>>)
      %dma_start3A_117 = arith.constant 0 : i32
      %dma_start3A_118 = tpu.memref_slice %arg7[%mul3A_110, %dma_start3A_117] : memref<125x80xi32, #tpu.memory_space<vmem>> -> memref<1x80xi32, #tpu.memory_space<vmem>>
      %dma_start3A_119 = tpu.memref_squeeze %dma_start3A_118 : memref<1x80xi32, #tpu.memory_space<vmem>> -> memref<80xi32, #tpu.memory_space<vmem>>
      %dma_start3A_120 = arith.constant 0 : i32
      %dma_start3A_121 = arith.constant 0 : i32
      %dma_start3A_122 = tpu.memref_slice %arg10[%dma_start3A_120, %dma_start3A_121] : memref<10240x64xf32, #tpu.memory_space<vmem_shared>> -> memref<10240x64xf32, #tpu.memory_space<vmem_shared>>
      tpu.enqueue_indirect_dma source(%arg8 : memref<80x64xf32, #tpu.memory_space<vmem>>) target(%dma_start3A_122 : memref<10240x64xf32, #tpu.memory_space<vmem_shared>>) offsets(%dma_start3A_119 : memref<80xi32, #tpu.memory_space<vmem>>) semaphore(%arg13 : memref<!tpu.dma_semaphore, #tpu.memory_space<semaphore_mem>>) {add = true}
      %dma_wait3A_123 = arith.constant 0 : i32
      %dma_wait3A_124 = arith.constant 0 : i32
      %dma_wait3A_125 = tpu.memref_slice %arg2[%dma_wait3A_123, %dma_wait3A_124] : memref<10240x64xf32, #tpu.memory_space<hbm>> -> memref<80x64xf32, #tpu.memory_space<hbm>>
      %dma_wait3A_126 = arith.constant 0 : i32
      %dma_wait3A_127 = arith.constant 0 : i32
      %dma_wait3A_128 = tpu.memref_slice %arg2[%dma_wait3A_126, %dma_wait3A_127] : memref<10240x64xf32, #tpu.memory_space<hbm>> -> memref<80x64xf32, #tpu.memory_space<hbm>>
      tpu.wait_dma2 semaphore(%arg14 : memref<!tpu.dma_semaphore, #tpu.memory_space<semaphore_mem>>) src(%arg9 : memref<80x64xf32, #tpu.memory_space<vmem>>) dst(%dma_wait3A_128 : memref<80x64xf32, #tpu.memory_space<hbm>>)
      %add3A_129 = arith.constant 1 : i32
      %add3A_130 = arith.addi %mul3A_110, %add3A_129 : i32
      %dma_start3A_131 = arith.constant 0 : i32
      %dma_start3A_132 = tpu.memref_slice %arg6[%add3A_130, %dma_start3A_131] : memref<125x80xi32, #tpu.memory_space<vmem>> -> memref<1x80xi32, #tpu.memory_space<vmem>>
      %dma_start3A_133 = tpu.memref_squeeze %dma_start3A_132 : memref<1x80xi32, #tpu.memory_space<vmem>> -> memref<80xi32, #tpu.memory_space<vmem>>
      %dma_start3A_134 = arith.constant 0 : i32
      %dma_start3A_135 = arith.constant 0 : i32
      %dma_start3A_136 = tpu.memref_slice %arg2[%dma_start3A_134, %dma_start3A_135] : memref<10240x64xf32, #tpu.memory_space<hbm>> -> memref<10240x64xf32, #tpu.memory_space<hbm>>
      tpu.enqueue_indirect_dma source(%dma_start3A_136 : memref<10240x64xf32, #tpu.memory_space<hbm>>) target(%arg9 : memref<80x64xf32, #tpu.memory_space<vmem>>) offsets(%dma_start3A_133 : memref<80xi32, #tpu.memory_space<vmem>>) semaphore(%arg12 : memref<!tpu.dma_semaphore, #tpu.memory_space<semaphore_mem>>)
      %dma_wait3A_137 = arith.constant 0 : i32
      %dma_wait3A_138 = arith.constant 0 : i32
      %dma_wait3A_139 = tpu.memref_slice %arg2[%dma_wait3A_137, %dma_wait3A_138] : memref<10240x64xf32, #tpu.memory_space<hbm>> -> memref<80x64xf32, #tpu.memory_space<hbm>>
      %dma_wait3A_140 = arith.constant 0 : i32
      %dma_wait3A_141 = arith.constant 0 : i32
      %dma_wait3A_142 = tpu.memref_slice %arg2[%dma_wait3A_140, %dma_wait3A_141] : memref<10240x64xf32, #tpu.memory_space<hbm>> -> memref<80x64xf32, #tpu.memory_space<hbm>>
      tpu.wait_dma2 semaphore(%arg12 : memref<!tpu.dma_semaphore, #tpu.memory_space<semaphore_mem>>) src(%dma_wait3A_142 : memref<80x64xf32, #tpu.memory_space<hbm>>) dst(%arg9 : memref<80x64xf32, #tpu.memory_space<vmem>>)
      %add3A_143 = arith.constant 1 : i32
      %add3A_144 = arith.addi %mul3A_110, %add3A_143 : i32
      %dma_start3A_145 = arith.constant 0 : i32
      %dma_start3A_146 = tpu.memref_slice %arg7[%add3A_144, %dma_start3A_145] : memref<125x80xi32, #tpu.memory_space<vmem>> -> memref<1x80xi32, #tpu.memory_space<vmem>>
      %dma_start3A_147 = tpu.memref_squeeze %dma_start3A_146 : memref<1x80xi32, #tpu.memory_space<vmem>> -> memref<80xi32, #tpu.memory_space<vmem>>
      %dma_start3A_148 = arith.constant 0 : i32
      %dma_start3A_149 = arith.constant 0 : i32
      %dma_start3A_150 = tpu.memref_slice %arg10[%dma_start3A_148, %dma_start3A_149] : memref<10240x64xf32, #tpu.memory_space<vmem_shared>> -> memref<10240x64xf32, #tpu.memory_space<vmem_shared>>
      tpu.enqueue_indirect_dma source(%arg9 : memref<80x64xf32, #tpu.memory_space<vmem>>) target(%dma_start3A_150 : memref<10240x64xf32, #tpu.memory_space<vmem_shared>>) offsets(%dma_start3A_147 : memref<80xi32, #tpu.memory_space<vmem>>) semaphore(%arg14 : memref<!tpu.dma_semaphore, #tpu.memory_space<semaphore_mem>>) {add = true}
      %dma_wait3A_151 = arith.constant 0 : i32
      %dma_wait3A_152 = arith.constant 0 : i32
      %dma_wait3A_153 = tpu.memref_slice %arg2[%dma_wait3A_151, %dma_wait3A_152] : memref<10240x64xf32, #tpu.memory_space<hbm>> -> memref<80x64xf32, #tpu.memory_space<hbm>>
      %dma_wait3A_154 = arith.constant 0 : i32
      %dma_wait3A_155 = arith.constant 0 : i32
      %dma_wait3A_156 = tpu.memref_slice %arg2[%dma_wait3A_154, %dma_wait3A_155] : memref<10240x64xf32, #tpu.memory_space<hbm>> -> memref<80x64xf32, #tpu.memory_space<hbm>>
      tpu.wait_dma2 semaphore(%arg13 : memref<!tpu.dma_semaphore, #tpu.memory_space<semaphore_mem>>) src(%arg8 : memref<80x64xf32, #tpu.memory_space<vmem>>) dst(%dma_wait3A_156 : memref<80x64xf32, #tpu.memory_space<hbm>>)
      %add3A_157 = arith.constant 2 : i32
      %add3A_158 = arith.addi %mul3A_110, %add3A_157 : i32
      %dma_start3A_159 = arith.constant 0 : i32
      %dma_start3A_160 = tpu.memref_slice %arg6[%add3A_158, %dma_start3A_159] : memref<125x80xi32, #tpu.memory_space<vmem>> -> memref<1x80xi32, #tpu.memory_space<vmem>>
      %dma_start3A_161 = tpu.memref_squeeze %dma_start3A_160 : memref<1x80xi32, #tpu.memory_space<vmem>> -> memref<80xi32, #tpu.memory_space<vmem>>
      %dma_start3A_162 = arith.constant 0 : i32
      %dma_start3A_163 = arith.constant 0 : i32
      %dma_start3A_164 = tpu.memref_slice %arg2[%dma_start3A_162, %dma_start3A_163] : memref<10240x64xf32, #tpu.memory_space<hbm>> -> memref<10240x64xf32, #tpu.memory_space<hbm>>
      tpu.enqueue_indirect_dma source(%dma_start3A_164 : memref<10240x64xf32, #tpu.memory_space<hbm>>) target(%arg8 : memref<80x64xf32, #tpu.memory_space<vmem>>) offsets(%dma_start3A_161 : memref<80xi32, #tpu.memory_space<vmem>>) semaphore(%arg11 : memref<!tpu.dma_semaphore, #tpu.memory_space<semaphore_mem>>)
    }
    %scan3A_81 = arith.constant 61 : i32
    %dma_wait3A_82 = arith.constant 0 : i32
    %dma_wait3A_83 = arith.constant 0 : i32
    %dma_wait3A_84 = tpu.memref_slice %arg2[%dma_wait3A_82, %dma_wait3A_83] : memref<10240x64xf32, #tpu.memory_space<hbm>> -> memref<80x64xf32, #tpu.memory_space<hbm>>
    %dma_wait3A_85 = arith.constant 0 : i32
    %dma_wait3A_86 = arith.constant 0 : i32
    %dma_wait3A_87 = tpu.memref_slice %arg2[%dma_wait3A_85, %dma_wait3A_86] : memref<10240x64xf32, #tpu.memory_space<hbm>> -> memref<80x64xf32, #tpu.memory_space<hbm>>
    tpu.wait_dma2 semaphore(%arg11 : memref<!tpu.dma_semaphore, #tpu.memory_space<semaphore_mem>>) src(%dma_wait3A_87 : memref<80x64xf32, #tpu.memory_space<hbm>>) dst(%arg8 : memref<80x64xf32, #tpu.memory_space<vmem>>)
    %dma_start3A_88 = arith.constant 124 : i32
    %dma_start3A_89 = arith.constant 0 : i32
    %dma_start3A_90 = tpu.memref_slice %arg7[%dma_start3A_88, %dma_start3A_89] : memref<125x80xi32, #tpu.memory_space<vmem>> -> memref<1x80xi32, #tpu.memory_space<vmem>>
    %dma_start3A_91 = tpu.memref_squeeze %dma_start3A_90 : memref<1x80xi32, #tpu.memory_space<vmem>> -> memref<80xi32, #tpu.memory_space<vmem>>
    %dma_start3A_92 = arith.constant 0 : i32
    %dma_start3A_93 = arith.constant 0 : i32
    %dma_start3A_94 = tpu.memref_slice %arg10[%dma_start3A_92, %dma_start3A_93] : memref<10240x64xf32, #tpu.memory_space<vmem_shared>> -> memref<10240x64xf32, #tpu.memory_space<vmem_shared>>
    tpu.enqueue_indirect_dma source(%arg8 : memref<80x64xf32, #tpu.memory_space<vmem>>) target(%dma_start3A_94 : memref<10240x64xf32, #tpu.memory_space<vmem_shared>>) offsets(%dma_start3A_91 : memref<80xi32, #tpu.memory_space<vmem>>) semaphore(%arg13 : memref<!tpu.dma_semaphore, #tpu.memory_space<semaphore_mem>>) {add = true}
    %dma_wait3A_95 = arith.constant 0 : i32
    %dma_wait3A_96 = arith.constant 0 : i32
    %dma_wait3A_97 = tpu.memref_slice %arg2[%dma_wait3A_95, %dma_wait3A_96] : memref<10240x64xf32, #tpu.memory_space<hbm>> -> memref<80x64xf32, #tpu.memory_space<hbm>>
    %dma_wait3A_98 = arith.constant 0 : i32
    %dma_wait3A_99 = arith.constant 0 : i32
    %dma_wait3A_100 = tpu.memref_slice %arg2[%dma_wait3A_98, %dma_wait3A_99] : memref<10240x64xf32, #tpu.memory_space<hbm>> -> memref<80x64xf32, #tpu.memory_space<hbm>>
    tpu.wait_dma2 semaphore(%arg14 : memref<!tpu.dma_semaphore, #tpu.memory_space<semaphore_mem>>) src(%arg9 : memref<80x64xf32, #tpu.memory_space<vmem>>) dst(%dma_wait3A_100 : memref<80x64xf32, #tpu.memory_space<hbm>>)
    %dma_wait3A_101 = arith.constant 0 : i32
    %dma_wait3A_102 = arith.constant 0 : i32
    %dma_wait3A_103 = tpu.memref_slice %arg2[%dma_wait3A_101, %dma_wait3A_102] : memref<10240x64xf32, #tpu.memory_space<hbm>> -> memref<80x64xf32, #tpu.memory_space<hbm>>
    %dma_wait3A_104 = arith.constant 0 : i32
    %dma_wait3A_105 = arith.constant 0 : i32
    %dma_wait3A_106 = tpu.memref_slice %arg2[%dma_wait3A_104, %dma_wait3A_105] : memref<10240x64xf32, #tpu.memory_space<hbm>> -> memref<80x64xf32, #tpu.memory_space<hbm>>
    tpu.wait_dma2 semaphore(%arg13 : memref<!tpu.dma_semaphore, #tpu.memory_space<semaphore_mem>>) src(%arg8 : memref<80x64xf32, #tpu.memory_space<vmem>>) dst(%dma_wait3A_106 : memref<80x64xf32, #tpu.memory_space<hbm>>)
    %barrier3A_107 = arith.constant 0 : index
    tpu.barrier barrier_id(%barrier3A_107)
    "tpu.region"() ({
      %run_scoped3A = tpu.sem_alloc : memref<!tpu.dma_semaphore, #tpu.memory_space<semaphore_mem>>
      %dma_start3A_108 = arith.constant 0 : i32
      %dma_start3A_109 = tpu.memref_slice %arg5[%arg0, %mul3A_8, %dma_start3A_108] : memref<2x10240x64xf32, #tpu.memory_space<hbm>> -> memref<1x640x64xf32, #tpu.memory_space<hbm>>
      %dma_start3A_110 = tpu.memref_squeeze %dma_start3A_109 : memref<1x640x64xf32, #tpu.memory_space<hbm>> -> memref<640x64xf32, #tpu.memory_space<hbm>>
      %dma_start3A_111 = arith.constant 0 : i32
      %dma_start3A_112 = tpu.memref_slice %arg10[%mul3A_8, %dma_start3A_111] : memref<10240x64xf32, #tpu.memory_space<vmem_shared>> -> memref<640x64xf32, #tpu.memory_space<vmem_shared>>
      tpu.enqueue_dma source(%dma_start3A_112 : memref<640x64xf32, #tpu.memory_space<vmem_shared>>) target(%dma_start3A_110 : memref<640x64xf32, #tpu.memory_space<hbm>>) target_semaphore(%run_scoped3A : memref<!tpu.dma_semaphore, #tpu.memory_space<semaphore_mem>>)
      %dma_wait3A_113 = arith.constant 0 : i32
      %dma_wait3A_114 = tpu.memref_slice %arg5[%arg0, %mul3A_8, %dma_wait3A_113] : memref<2x10240x64xf32, #tpu.memory_space<hbm>> -> memref<1x640x64xf32, #tpu.memory_space<hbm>>
      %dma_wait3A_115 = tpu.memref_squeeze %dma_wait3A_114 : memref<1x640x64xf32, #tpu.memory_space<hbm>> -> memref<640x64xf32, #tpu.memory_space<hbm>>
      %dma_wait3A_116 = arith.constant 0 : i32
      %dma_wait3A_117 = tpu.memref_slice %arg10[%mul3A_8, %dma_wait3A_116] : memref<10240x64xf32, #tpu.memory_space<vmem_shared>> -> memref<640x64xf32, #tpu.memory_space<vmem_shared>>
      tpu.wait_dma2 semaphore(%run_scoped3A : memref<!tpu.dma_semaphore, #tpu.memory_space<semaphore_mem>>) src(%dma_wait3A_117 : memref<640x64xf32, #tpu.memory_space<vmem_shared>>) dst(%dma_wait3A_115 : memref<640x64xf32, #tpu.memory_space<hbm>>)
      tpu.yield
    }) : () -> ()
    return
  }
}

#map = affine_map<(d0, d1) -> (0, 0, 0)>
#map1 = affine_map<(d0, d1) -> (0, 0)>
module attributes {stable_mosaic.version = 14 : i64} {
  func.func @_hist_kernel(%arg0: i32, %arg1: i32, %arg2: memref<32x125x80xi32, #tpu.memory_space<hbm>>, %arg3: memref<2x10240xf32, #tpu.memory_space<hbm>>, %arg4: memref<10240xf32, #tpu.memory_space<vmem>>, %arg5: memref<125x80xi32, #tpu.memory_space<vmem>>, %arg6: memref<640xf32, #tpu.memory_space<vmem>>, %arg7: memref<640xf32, #tpu.memory_space<vmem>>, %arg8: memref<16x10240xf32, #tpu.memory_space<vmem_shared>>) attributes {dimension_semantics = [#tpu.dimension_semantics<core_parallel>, #tpu.dimension_semantics<subcore_parallel>], iteration_bounds = array<i64: 2, 16>, scalar_prefetch = 0 : i64, scratch_operands = 5 : i64, tpu.core_type = #tpu.core_type<sc_vector_subcore>, window_params = [{transform_indices = #map}, {transform_indices = #map1}]} {
    %mul3A = arith.constant 16 : i32
    %mul3A_0 = arith.muli %arg0, %mul3A : i32
    %add3A = arith.addi %mul3A_0, %arg1 : i32
    %broadcast_in_dim3A = arith.constant 0.000000e+00 : f32
    %broadcast_in_dim3A_1 = vector.broadcast %broadcast_in_dim3A : f32 to vector<16xf32>
    %broadcast_in_dim3A_2 = arith.constant 1.000000e+00 : f32
    %broadcast_in_dim3A_3 = vector.broadcast %broadcast_in_dim3A_2 : f32 to vector<16xf32>
    %scan3A = arith.constant 0 : i32
    %scan3A_4 = arith.constant 0 : i32
    %scan3A_5 = arith.constant 640 : i32
    %scan3A_6 = arith.addi %scan3A_4, %scan3A_5 : i32
    %scan3A_7 = arith.constant 1 : i32
    scf.for %scan3A_23 = %scan3A_4 to %scan3A_6 step %scan3A_7  : i32 {
      %mul3A_24 = arith.constant 16 : i32
      %mul3A_25 = arith.muli %scan3A_23, %mul3A_24 : i32
      %swap3A = arith.index_cast %mul3A_25 : i32 to index
      %swap3A_26 = tpu.vector_load %arg4[%swap3A] {strides = array<i32>} : memref<10240xf32, #tpu.memory_space<vmem>>, vector<16xf32>,
      tpu.vector_store %arg4[%swap3A], %broadcast_in_dim3A_1 {strides = array<i32>} : memref<10240xf32, #tpu.memory_space<vmem>>, vector<16xf32>,
    }
    %scan3A_8 = arith.constant 640 : i32
    "tpu.region"() ({
      %run_scoped3A_23 = tpu.sem_alloc : memref<!tpu.dma_semaphore, #tpu.memory_space<semaphore_mem>>
      %dma_start3A = arith.constant 0 : i32
      %dma_start3A_24 = arith.constant 0 : i32
      %dma_start3A_25 = tpu.memref_slice %arg2[%add3A, %dma_start3A, %dma_start3A_24] : memref<32x125x80xi32, #tpu.memory_space<hbm>> -> memref<1x125x80xi32, #tpu.memory_space<hbm>>
      %dma_start3A_26 = tpu.memref_squeeze %dma_start3A_25 : memref<1x125x80xi32, #tpu.memory_space<hbm>> -> memref<125x80xi32, #tpu.memory_space<hbm>>
      %dma_start3A_27 = arith.constant 0 : i32
      %dma_start3A_28 = arith.constant 0 : i32
      %dma_start3A_29 = tpu.memref_slice %arg2[%add3A, %dma_start3A_27, %dma_start3A_28] : memref<32x125x80xi32, #tpu.memory_space<hbm>> -> memref<1x125x80xi32, #tpu.memory_space<hbm>>
      %dma_start3A_30 = tpu.memref_squeeze %dma_start3A_29 : memref<1x125x80xi32, #tpu.memory_space<hbm>> -> memref<125x80xi32, #tpu.memory_space<hbm>>
      tpu.enqueue_dma source(%dma_start3A_30 : memref<125x80xi32, #tpu.memory_space<hbm>>) target(%arg5 : memref<125x80xi32, #tpu.memory_space<vmem>>) target_semaphore(%run_scoped3A_23 : memref<!tpu.dma_semaphore, #tpu.memory_space<semaphore_mem>>)
      %dma_wait3A = arith.constant 0 : i32
      %dma_wait3A_31 = arith.constant 0 : i32
      %dma_wait3A_32 = tpu.memref_slice %arg2[%add3A, %dma_wait3A, %dma_wait3A_31] : memref<32x125x80xi32, #tpu.memory_space<hbm>> -> memref<1x125x80xi32, #tpu.memory_space<hbm>>
      %dma_wait3A_33 = tpu.memref_squeeze %dma_wait3A_32 : memref<1x125x80xi32, #tpu.memory_space<hbm>> -> memref<125x80xi32, #tpu.memory_space<hbm>>
      %dma_wait3A_34 = arith.constant 0 : i32
      %dma_wait3A_35 = arith.constant 0 : i32
      %dma_wait3A_36 = tpu.memref_slice %arg2[%add3A, %dma_wait3A_34, %dma_wait3A_35] : memref<32x125x80xi32, #tpu.memory_space<hbm>> -> memref<1x125x80xi32, #tpu.memory_space<hbm>>
      %dma_wait3A_37 = tpu.memref_squeeze %dma_wait3A_36 : memref<1x125x80xi32, #tpu.memory_space<hbm>> -> memref<125x80xi32, #tpu.memory_space<hbm>>
      tpu.wait_dma2 semaphore(%run_scoped3A_23 : memref<!tpu.dma_semaphore, #tpu.memory_space<semaphore_mem>>) src(%dma_wait3A_37 : memref<125x80xi32, #tpu.memory_space<hbm>>) dst(%arg5 : memref<125x80xi32, #tpu.memory_space<vmem>>)
      tpu.yield
    }) : () -> ()
    %scan3A_9 = arith.constant 0 : i32
    %scan3A_10 = arith.constant 0 : i32
    %scan3A_11 = arith.constant 125 : i32
    %scan3A_12 = arith.addi %scan3A_10, %scan3A_11 : i32
    %scan3A_13 = arith.constant 1 : i32
    scf.for %scan3A_23 = %scan3A_10 to %scan3A_12 step %scan3A_13  : i32 {
      %scan3A_24 = arith.constant 0 : i32
      %scan3A_25 = arith.constant 0 : i32
      %scan3A_26 = arith.constant 5 : i32
      %scan3A_27 = arith.addi %scan3A_25, %scan3A_26 : i32
      %scan3A_28 = arith.constant 1 : i32
      scf.for %scan3A_30 = %scan3A_25 to %scan3A_27 step %scan3A_28  : i32 {
        %mul3A_31 = arith.constant 16 : i32
        %mul3A_32 = arith.muli %scan3A_30, %mul3A_31 : i32
        %get3A = arith.index_cast %scan3A_23 : i32 to index
        %get3A_33 = arith.index_cast %mul3A_32 : i32 to index
        %get3A_34 = tpu.vector_load %arg5[%get3A, %get3A_33] {strides = array<i32>} : memref<125x80xi32, #tpu.memory_space<vmem>>, vector<16xi32>,
        tpu.vector_store_idx %arg4[%get3A_34], %broadcast_in_dim3A_3 {add = true} : memref<10240xf32, #tpu.memory_space<vmem>>[vector<16xi32>], vector<16xf32>,
      }
      %scan3A_29 = arith.constant 5 : i32
    }
    %scan3A_14 = arith.constant 125 : i32
    "tpu.region"() ({
      %run_scoped3A_23 = tpu.sem_alloc : memref<!tpu.dma_semaphore, #tpu.memory_space<semaphore_mem>>
      %dma_start3A = arith.constant 0 : i32
      %dma_start3A_24 = tpu.memref_slice %arg8[%arg1, %dma_start3A] : memref<16x10240xf32, #tpu.memory_space<vmem_shared>> -> memref<1x10240xf32, #tpu.memory_space<vmem_shared>>
      %dma_start3A_25 = tpu.memref_squeeze %dma_start3A_24 : memref<1x10240xf32, #tpu.memory_space<vmem_shared>> -> memref<10240xf32, #tpu.memory_space<vmem_shared>>
      %dma_start3A_26 = arith.constant 0 : i32
      %dma_start3A_27 = tpu.memref_slice %arg8[%arg1, %dma_start3A_26] : memref<16x10240xf32, #tpu.memory_space<vmem_shared>> -> memref<1x10240xf32, #tpu.memory_space<vmem_shared>>
      %dma_start3A_28 = tpu.memref_squeeze %dma_start3A_27 : memref<1x10240xf32, #tpu.memory_space<vmem_shared>> -> memref<10240xf32, #tpu.memory_space<vmem_shared>>
      tpu.enqueue_dma source(%arg4 : memref<10240xf32, #tpu.memory_space<vmem>>) target(%dma_start3A_28 : memref<10240xf32, #tpu.memory_space<vmem_shared>>) target_semaphore(%run_scoped3A_23 : memref<!tpu.dma_semaphore, #tpu.memory_space<semaphore_mem>>)
      %dma_wait3A = arith.constant 0 : i32
      %dma_wait3A_29 = tpu.memref_slice %arg8[%arg1, %dma_wait3A] : memref<16x10240xf32, #tpu.memory_space<vmem_shared>> -> memref<1x10240xf32, #tpu.memory_space<vmem_shared>>
      %dma_wait3A_30 = tpu.memref_squeeze %dma_wait3A_29 : memref<1x10240xf32, #tpu.memory_space<vmem_shared>> -> memref<10240xf32, #tpu.memory_space<vmem_shared>>
      %dma_wait3A_31 = arith.constant 0 : i32
      %dma_wait3A_32 = tpu.memref_slice %arg8[%arg1, %dma_wait3A_31] : memref<16x10240xf32, #tpu.memory_space<vmem_shared>> -> memref<1x10240xf32, #tpu.memory_space<vmem_shared>>
      %dma_wait3A_33 = tpu.memref_squeeze %dma_wait3A_32 : memref<1x10240xf32, #tpu.memory_space<vmem_shared>> -> memref<10240xf32, #tpu.memory_space<vmem_shared>>
      tpu.wait_dma2 semaphore(%run_scoped3A_23 : memref<!tpu.dma_semaphore, #tpu.memory_space<semaphore_mem>>) src(%arg4 : memref<10240xf32, #tpu.memory_space<vmem>>) dst(%dma_wait3A_33 : memref<10240xf32, #tpu.memory_space<vmem_shared>>)
      tpu.yield
    }) : () -> ()
    %barrier3A = arith.constant 0 : index
    tpu.barrier barrier_id(%barrier3A)
    %mul3A_15 = arith.constant 640 : i32
    %mul3A_16 = arith.muli %arg1, %mul3A_15 : i32
    %run_scoped3A = arith.constant 0 : i32
    "tpu.region"() ({
      %run_scoped3A_23 = tpu.sem_alloc : memref<!tpu.dma_semaphore, #tpu.memory_space<semaphore_mem>>
      %dma_start3A = tpu.memref_slice %arg8[%run_scoped3A, %mul3A_16] : memref<16x10240xf32, #tpu.memory_space<vmem_shared>> -> memref<1x640xf32, #tpu.memory_space<vmem_shared>>
      %dma_start3A_24 = tpu.memref_squeeze %dma_start3A : memref<1x640xf32, #tpu.memory_space<vmem_shared>> -> memref<640xf32, #tpu.memory_space<vmem_shared>>
      %dma_start3A_25 = tpu.memref_slice %arg8[%run_scoped3A, %mul3A_16] : memref<16x10240xf32, #tpu.memory_space<vmem_shared>> -> memref<1x640xf32, #tpu.memory_space<vmem_shared>>
      %dma_start3A_26 = tpu.memref_squeeze %dma_start3A_25 : memref<1x640xf32, #tpu.memory_space<vmem_shared>> -> memref<640xf32, #tpu.memory_space<vmem_shared>>
      tpu.enqueue_dma source(%dma_start3A_26 : memref<640xf32, #tpu.memory_space<vmem_shared>>) target(%arg6 : memref<640xf32, #tpu.memory_space<vmem>>) target_semaphore(%run_scoped3A_23 : memref<!tpu.dma_semaphore, #tpu.memory_space<semaphore_mem>>)
      %dma_wait3A = tpu.memref_slice %arg8[%run_scoped3A, %mul3A_16] : memref<16x10240xf32, #tpu.memory_space<vmem_shared>> -> memref<1x640xf32, #tpu.memory_space<vmem_shared>>
      %dma_wait3A_27 = tpu.memref_squeeze %dma_wait3A : memref<1x640xf32, #tpu.memory_space<vmem_shared>> -> memref<640xf32, #tpu.memory_space<vmem_shared>>
      %dma_wait3A_28 = tpu.memref_slice %arg8[%run_scoped3A, %mul3A_16] : memref<16x10240xf32, #tpu.memory_space<vmem_shared>> -> memref<1x640xf32, #tpu.memory_space<vmem_shared>>
      %dma_wait3A_29 = tpu.memref_squeeze %dma_wait3A_28 : memref<1x640xf32, #tpu.memory_space<vmem_shared>> -> memref<640xf32, #tpu.memory_space<vmem_shared>>
      tpu.wait_dma2 semaphore(%run_scoped3A_23 : memref<!tpu.dma_semaphore, #tpu.memory_space<semaphore_mem>>) src(%dma_wait3A_29 : memref<640xf32, #tpu.memory_space<vmem_shared>>) dst(%arg6 : memref<640xf32, #tpu.memory_space<vmem>>)
      tpu.yield
    }) : () -> ()
    %scan3A_17 = arith.constant 0 : i32
    %scan3A_18 = arith.constant 1 : i32
    %scan3A_19 = arith.constant 15 : i32
    %scan3A_20 = arith.addi %scan3A_18, %scan3A_19 : i32
    %scan3A_21 = arith.constant 1 : i32
    scf.for %scan3A_23 = %scan3A_18 to %scan3A_20 step %scan3A_21  : i32 {
      "tpu.region"() ({
        %run_scoped3A_30 = tpu.sem_alloc : memref<!tpu.dma_semaphore, #tpu.memory_space<semaphore_mem>>
        %dma_start3A = tpu.memref_slice %arg8[%scan3A_23, %mul3A_16] : memref<16x10240xf32, #tpu.memory_space<vmem_shared>> -> memref<1x640xf32, #tpu.memory_space<vmem_shared>>
        %dma_start3A_31 = tpu.memref_squeeze %dma_start3A : memref<1x640xf32, #tpu.memory_space<vmem_shared>> -> memref<640xf32, #tpu.memory_space<vmem_shared>>
        %dma_start3A_32 = tpu.memref_slice %arg8[%scan3A_23, %mul3A_16] : memref<16x10240xf32, #tpu.memory_space<vmem_shared>> -> memref<1x640xf32, #tpu.memory_space<vmem_shared>>
        %dma_start3A_33 = tpu.memref_squeeze %dma_start3A_32 : memref<1x640xf32, #tpu.memory_space<vmem_shared>> -> memref<640xf32, #tpu.memory_space<vmem_shared>>
        tpu.enqueue_dma source(%dma_start3A_33 : memref<640xf32, #tpu.memory_space<vmem_shared>>) target(%arg7 : memref<640xf32, #tpu.memory_space<vmem>>) target_semaphore(%run_scoped3A_30 : memref<!tpu.dma_semaphore, #tpu.memory_space<semaphore_mem>>)
        %dma_wait3A = tpu.memref_slice %arg8[%scan3A_23, %mul3A_16] : memref<16x10240xf32, #tpu.memory_space<vmem_shared>> -> memref<1x640xf32, #tpu.memory_space<vmem_shared>>
        %dma_wait3A_34 = tpu.memref_squeeze %dma_wait3A : memref<1x640xf32, #tpu.memory_space<vmem_shared>> -> memref<640xf32, #tpu.memory_space<vmem_shared>>
        %dma_wait3A_35 = tpu.memref_slice %arg8[%scan3A_23, %mul3A_16] : memref<16x10240xf32, #tpu.memory_space<vmem_shared>> -> memref<1x640xf32, #tpu.memory_space<vmem_shared>>
        %dma_wait3A_36 = tpu.memref_squeeze %dma_wait3A_35 : memref<1x640xf32, #tpu.memory_space<vmem_shared>> -> memref<640xf32, #tpu.memory_space<vmem_shared>>
        tpu.wait_dma2 semaphore(%run_scoped3A_30 : memref<!tpu.dma_semaphore, #tpu.memory_space<semaphore_mem>>) src(%dma_wait3A_36 : memref<640xf32, #tpu.memory_space<vmem_shared>>) dst(%arg7 : memref<640xf32, #tpu.memory_space<vmem>>)
        tpu.yield
      }) : () -> ()
      %scan3A_24 = arith.constant 0 : i32
      %scan3A_25 = arith.constant 0 : i32
      %scan3A_26 = arith.constant 40 : i32
      %scan3A_27 = arith.addi %scan3A_25, %scan3A_26 : i32
      %scan3A_28 = arith.constant 1 : i32
      scf.for %scan3A_30 = %scan3A_25 to %scan3A_27 step %scan3A_28  : i32 {
        %mul3A_31 = arith.constant 16 : i32
        %mul3A_32 = arith.muli %scan3A_30, %mul3A_31 : i32
        %get3A = arith.index_cast %mul3A_32 : i32 to index
        %get3A_33 = tpu.vector_load %arg6[%get3A] {strides = array<i32>} : memref<640xf32, #tpu.memory_space<vmem>>, vector<16xf32>,
        %mul3A_34 = arith.constant 16 : i32
        %mul3A_35 = arith.muli %scan3A_30, %mul3A_34 : i32
        %get3A_36 = arith.index_cast %mul3A_35 : i32 to index
        %get3A_37 = tpu.vector_load %arg7[%get3A_36] {strides = array<i32>} : memref<640xf32, #tpu.memory_space<vmem>>, vector<16xf32>,
        %add3A_38 = arith.addf %get3A_33, %get3A_37 : vector<16xf32>
        %mul3A_39 = arith.constant 16 : i32
        %mul3A_40 = arith.muli %scan3A_30, %mul3A_39 : i32
        %swap3A = arith.index_cast %mul3A_40 : i32 to index
        %swap3A_41 = tpu.vector_load %arg6[%swap3A] {strides = array<i32>} : memref<640xf32, #tpu.memory_space<vmem>>, vector<16xf32>,
        tpu.vector_store %arg6[%swap3A], %add3A_38 {strides = array<i32>} : memref<640xf32, #tpu.memory_space<vmem>>, vector<16xf32>,
      }
      %scan3A_29 = arith.constant 40 : i32
    }
    %scan3A_22 = arith.constant 15 : i32
    "tpu.region"() ({
      %run_scoped3A_23 = tpu.sem_alloc : memref<!tpu.dma_semaphore, #tpu.memory_space<semaphore_mem>>
      %dma_start3A = tpu.memref_slice %arg3[%arg0, %mul3A_16] : memref<2x10240xf32, #tpu.memory_space<hbm>> -> memref<1x640xf32, #tpu.memory_space<hbm>>
      %dma_start3A_24 = tpu.memref_squeeze %dma_start3A : memref<1x640xf32, #tpu.memory_space<hbm>> -> memref<640xf32, #tpu.memory_space<hbm>>
      %dma_start3A_25 = tpu.memref_slice %arg3[%arg0, %mul3A_16] : memref<2x10240xf32, #tpu.memory_space<hbm>> -> memref<1x640xf32, #tpu.memory_space<hbm>>
      %dma_start3A_26 = tpu.memref_squeeze %dma_start3A_25 : memref<1x640xf32, #tpu.memory_space<hbm>> -> memref<640xf32, #tpu.memory_space<hbm>>
      tpu.enqueue_dma source(%arg6 : memref<640xf32, #tpu.memory_space<vmem>>) target(%dma_start3A_26 : memref<640xf32, #tpu.memory_space<hbm>>) target_semaphore(%run_scoped3A_23 : memref<!tpu.dma_semaphore, #tpu.memory_space<semaphore_mem>>)
      %dma_wait3A = tpu.memref_slice %arg3[%arg0, %mul3A_16] : memref<2x10240xf32, #tpu.memory_space<hbm>> -> memref<1x640xf32, #tpu.memory_space<hbm>>
      %dma_wait3A_27 = tpu.memref_squeeze %dma_wait3A : memref<1x640xf32, #tpu.memory_space<hbm>> -> memref<640xf32, #tpu.memory_space<hbm>>
      %dma_wait3A_28 = tpu.memref_slice %arg3[%arg0, %mul3A_16] : memref<2x10240xf32, #tpu.memory_space<hbm>> -> memref<1x640xf32, #tpu.memory_space<hbm>>
      %dma_wait3A_29 = tpu.memref_squeeze %dma_wait3A_28 : memref<1x640xf32, #tpu.memory_space<hbm>> -> memref<640xf32, #tpu.memory_space<hbm>>
      tpu.wait_dma2 semaphore(%run_scoped3A_23 : memref<!tpu.dma_semaphore, #tpu.memory_space<semaphore_mem>>) src(%arg6 : memref<640xf32, #tpu.memory_space<vmem>>) dst(%dma_wait3A_29 : memref<640xf32, #tpu.memory_space<hbm>>)
      tpu.yield
    }) : () -> ()
    return
  }
}

module attributes {stable_mosaic.version = 14 : i64} {
  func.func @_mm_body(%arg0: memref<10240x128xf32, #tpu.memory_space<vmem>>, %arg1: memref<128x64xf32, #tpu.memory_space<vmem>>, %arg2: memref<2x10240xf32, #tpu.memory_space<vmem>>, %arg3: memref<10240x64xf32, #tpu.memory_space<vmem>>) attributes {dimension_semantics = [], scalar_prefetch = 0 : i64, scratch_operands = 0 : i64, tpu.core_type = #tpu.core_type<tc>} {
    %get3A = arith.constant 0 : index
    %get3A_0 = arith.constant 0 : index
    %get3A_1 = vector.load %arg2[%get3A, %get3A_0] : memref<2x10240xf32, #tpu.memory_space<vmem>>, vector<1x10240xf32>
    %get3A_2 = vector.shape_cast %get3A_1 : vector<1x10240xf32> to vector<10240xf32>
    %get3A_3 = arith.constant 1 : index
    %get3A_4 = arith.constant 0 : index
    %get3A_5 = vector.load %arg2[%get3A_3, %get3A_4] : memref<2x10240xf32, #tpu.memory_space<vmem>>, vector<1x10240xf32>
    %get3A_6 = vector.shape_cast %get3A_5 : vector<1x10240xf32> to vector<10240xf32>
    %add3A = arith.addf %get3A_2, %get3A_6 : vector<10240xf32>
    %add3A_7 = arith.constant 1.000000e+00 : f32
    %add3A_8 = vector.broadcast %add3A_7 : f32 to vector<10240xf32>
    %add3A_9 = arith.addf %add3A, %add3A_8 : vector<10240xf32>
    %rsqrt3A = math.rsqrt %add3A_9 : vector<10240xf32>
    %get3A_10 = arith.constant 0 : index
    %get3A_11 = arith.constant 0 : index
    %get3A_12 = vector.load %arg0[%get3A_10, %get3A_11] : memref<10240x128xf32, #tpu.memory_space<vmem>>, vector<10240x128xf32>
    %get3A_13 = arith.constant 0 : index
    %get3A_14 = arith.constant 0 : index
    %get3A_15 = vector.load %arg1[%get3A_13, %get3A_14] : memref<128x64xf32, #tpu.memory_space<vmem>>, vector<128x64xf32>
    %dot_general3A = arith.constant dense<0.000000e+00> : vector<10240x64xf32>
    %dot_general3A_16 = tpu.matmul %get3A_12, %get3A_15, %dot_general3A {dimension_numbers = #tpu.dot_dimension_numbers<[1], [0], [0], [1], [0, 0, 1, 1], [], []>, transpose_lhs_hint = false} : vector<10240x128xf32>, vector<128x64xf32>, vector<10240x64xf32> -> vector<10240x64xf32>
    %broadcast_in_dim3A = vector.shape_cast %rsqrt3A : vector<10240xf32> to vector<10240x1xf32>
    %mul3A = vector.broadcast %broadcast_in_dim3A : vector<10240x1xf32> to vector<10240x64xf32>
    %mul3A_17 = arith.mulf %dot_general3A_16, %mul3A : vector<10240x64xf32>
    %swap3A = arith.constant 0 : index
    %swap3A_18 = arith.constant 0 : index
    %swap3A_19 = vector.load %arg3[%swap3A, %swap3A_18] : memref<10240x64xf32, #tpu.memory_space<vmem>>, vector<10240x64xf32>
    tpu.vector_store %arg3[%swap3A, %swap3A_18], %mul3A_17 {strides = array<i32>} : memref<10240x64xf32, #tpu.memory_space<vmem>>, vector<10240x64xf32>,
    return
  }
}

module attributes {stable_mosaic.version = 14 : i64} {
  func.func @_fin_body(%arg0: memref<10240x64xf32, #tpu.memory_space<vmem>>, %arg1: memref<10240x64xf32, #tpu.memory_space<vmem>>, %arg2: memref<10240x64xf32, #tpu.memory_space<vmem>>, %arg3: memref<2x10240xf32, #tpu.memory_space<vmem>>, %arg4: memref<1x64xf32, #tpu.memory_space<vmem>>, %arg5: memref<64x1xf32, #tpu.memory_space<vmem>>, %arg6: memref<1x1xf32, #tpu.memory_space<vmem>>, %arg7: memref<1x10240xi32, #tpu.memory_space<vmem>>, %arg8: memref<64x1xf32, #tpu.memory_space<vmem>>) attributes {dimension_semantics = [], scalar_prefetch = 0 : i64, scratch_operands = 0 : i64, tpu.core_type = #tpu.core_type<tc>} {
    %get3A = arith.constant 0 : index
    %get3A_0 = arith.constant 0 : index
    %get3A_1 = vector.load %arg3[%get3A, %get3A_0] : memref<2x10240xf32, #tpu.memory_space<vmem>>, vector<1x10240xf32>
    %get3A_2 = vector.shape_cast %get3A_1 : vector<1x10240xf32> to vector<10240xf32>
    %get3A_3 = arith.constant 1 : index
    %get3A_4 = arith.constant 0 : index
    %get3A_5 = vector.load %arg3[%get3A_3, %get3A_4] : memref<2x10240xf32, #tpu.memory_space<vmem>>, vector<1x10240xf32>
    %get3A_6 = vector.shape_cast %get3A_5 : vector<1x10240xf32> to vector<10240xf32>
    %add3A = arith.addf %get3A_2, %get3A_6 : vector<10240xf32>
    %add3A_7 = arith.constant 1.000000e+00 : f32
    %add3A_8 = vector.broadcast %add3A_7 : f32 to vector<10240xf32>
    %add3A_9 = arith.addf %add3A, %add3A_8 : vector<10240xf32>
    %rsqrt3A = math.rsqrt %add3A_9 : vector<10240xf32>
    %get3A_10 = arith.constant 0 : index
    %get3A_11 = arith.constant 0 : index
    %get3A_12 = vector.load %arg0[%get3A_10, %get3A_11] : memref<10240x64xf32, #tpu.memory_space<vmem>>, vector<10240x64xf32>
    %get3A_13 = arith.constant 0 : index
    %get3A_14 = arith.constant 0 : index
    %get3A_15 = vector.load %arg1[%get3A_13, %get3A_14] : memref<10240x64xf32, #tpu.memory_space<vmem>>, vector<10240x64xf32>
    %add3A_16 = arith.addf %get3A_12, %get3A_15 : vector<10240x64xf32>
    %get3A_17 = arith.constant 0 : index
    %get3A_18 = arith.constant 0 : index
    %get3A_19 = vector.load %arg2[%get3A_17, %get3A_18] : memref<10240x64xf32, #tpu.memory_space<vmem>>, vector<10240x64xf32>
    %add3A_20 = arith.addf %add3A_16, %get3A_19 : vector<10240x64xf32>
    %broadcast_in_dim3A = vector.shape_cast %rsqrt3A : vector<10240xf32> to vector<10240x1xf32>
    %mul3A = vector.broadcast %broadcast_in_dim3A : vector<10240x1xf32> to vector<10240x64xf32>
    %mul3A_21 = arith.mulf %add3A_20, %mul3A : vector<10240x64xf32>
    %get3A_22 = arith.constant 0 : index
    %get3A_23 = arith.constant 0 : index
    %get3A_24 = vector.load %arg4[%get3A_22, %get3A_23] : memref<1x64xf32, #tpu.memory_space<vmem>>, vector<1x64xf32>
    %add3A_25 = vector.broadcast %get3A_24 : vector<1x64xf32> to vector<10240x64xf32>
    %add3A_26 = arith.addf %mul3A_21, %add3A_25 : vector<10240x64xf32>
    %max3A = arith.constant 0.000000e+00 : f32
    %max3A_27 = vector.broadcast %max3A : f32 to vector<10240x64xf32>
    %max3A_28 = arith.maximumf %add3A_26, %max3A_27 : vector<10240x64xf32>
    %get3A_29 = arith.constant 0 : index
    %get3A_30 = arith.constant 0 : index
    %get3A_31 = vector.load %arg5[%get3A_29, %get3A_30] : memref<64x1xf32, #tpu.memory_space<vmem>>, vector<64x1xf32>
    %dot_general3A = arith.constant dense<0.000000e+00> : vector<10240x1xf32>
    %dot_general3A_32 = tpu.matmul %max3A_28, %get3A_31, %dot_general3A {dimension_numbers = #tpu.dot_dimension_numbers<[1], [0], [0], [1], [0, 0, 1, 1], [], []>, transpose_lhs_hint = false} : vector<10240x64xf32>, vector<64x1xf32>, vector<10240x1xf32> -> vector<10240x1xf32>
    %iota3A = tpu.iota {dimensions = array<i32: 0>} : vector<64x10240xi32>
    %get3A_33 = arith.constant 0 : index
    %get3A_34 = arith.constant 0 : index
    %get3A_35 = vector.load %arg7[%get3A_33, %get3A_34] : memref<1x10240xi32, #tpu.memory_space<vmem>>, vector<1x10240xi32>
    %eq3A = vector.broadcast %get3A_35 : vector<1x10240xi32> to vector<64x10240xi32>
    %eq3A_36 = arith.cmpi eq, %eq3A, %iota3A : vector<64x10240xi32>
    %jit3A = arith.constant 1.000000e+00 : f32
    %jit3A_37 = arith.constant 0.000000e+00 : f32
    %broadcast_in_dim3A_38 = vector.broadcast %jit3A : f32 to vector<64x10240xf32>
    %broadcast_in_dim3A_39 = vector.broadcast %jit3A_37 : f32 to vector<64x10240xf32>
    %select_n3A = arith.select %eq3A_36, %broadcast_in_dim3A_38, %broadcast_in_dim3A_39 : vector<64x10240xi1>, vector<64x10240xf32>
    %dot_general3A_40 = arith.constant dense<0.000000e+00> : vector<64x1xf32>
    %dot_general3A_41 = tpu.matmul %select_n3A, %dot_general3A_32, %dot_general3A_40 {dimension_numbers = #tpu.dot_dimension_numbers<[1], [0], [0], [1], [0, 0, 1, 1], [], []>, transpose_lhs_hint = false} : vector<64x10240xf32>, vector<10240x1xf32>, vector<64x1xf32> -> vector<64x1xf32>
    %get3A_42 = arith.constant 0 : index
    %get3A_43 = arith.constant 0 : index
    %get3A_44 = vector.load %arg6[%get3A_42, %get3A_43] : memref<1x1xf32, #tpu.memory_space<vmem>>, vector<1x1xf32>
    %add3A_45 = vector.broadcast %get3A_44 : vector<1x1xf32> to vector<64x1xf32>
    %add3A_46 = arith.addf %dot_general3A_41, %add3A_45 : vector<64x1xf32>
    %swap3A = arith.constant 0 : index
    %swap3A_47 = arith.constant 0 : index
    %swap3A_48 = vector.load %arg8[%swap3A, %swap3A_47] : memref<64x1xf32, #tpu.memory_space<vmem>>, vector<64x1xf32>
    tpu.vector_store %arg8[%swap3A, %swap3A_47], %add3A_46 {strides = array<i32>} : memref<64x1xf32, #tpu.memory_space<vmem>>, vector<64x1xf32>,
    return
  }
}

</mosaic_0001>

<sc_bundles>
// kernel: kernel.6.cloned.1.call-start
scs
__scs_entry_jumppad:
0x0: {  	(pc) =	sbr.rel $0x88, $3  }
0x1: {  	(tag) =	ssettag $0x0;
	lr =	simm.s32 $0x1  }
0x2: {  	[smem:$0x3F9A] =	sst lr;
	_ =	strace $0xD0000000  }
0x3: {  	_ = 	snop  }
0x4: {  	_ = 	snop  }
0x5: {  	_ = 	snop  }
0x6: {  	_ = 	snop  }
0x7: {  	_ = 	snop  }
__scs_overlays_trampoline_lowered:
0x8: {  	[smem:$0x3FA9] =	sst s0  }
0x9: {  	[smem:$0x3FAA] =	sst s1  }
0xa: {  	[smem:$0x3FAB] =	sst s2  }
0xb: {  	[smem:$0x3FAC] =	sst s3  }
0xc: {  	[smem:$0x3FAD] =	sst s4  }
0xd: {  	[smem:$0x3FAE] =	sst s5  }
0xe: {  	[smem:$0x3FAF] =	sst s6  }
0xf: {  	[smem:$0x3FB0] =	sst s7  }
0x10: {  	[smem:$0x3FB1] =	sst s8  }
0x11: {  	[smem:$0x3FB2] =	sst s9;
	s0 =	simm.s32 @!p0 $0x0  }
0x12: {  	s1 =	sld [smem:$0x3F98];
	s0 =	simm.s32 @p0 $0x1  }
0x13: {  	[smem:$0x3FB3] =	sst s0;
	s0 =	simm.s32 @!p1 $0x0  }
0x14: {  	s2 =	sld [smem:$0x3F97];
	s0 =	simm.s32 @p1 $0x1  }
0x15: {  	[smem:$0x3FB4] =	sst s0;
	s0 =	simm.s32 @!p2 $0x0  }
0x16: {  	s3 =	sld [smem:$0x3FDB];
	s0 =	simm.s32 @p2 $0x1  }
0x17: {  	s4 =	simm.s32 $0x1BF5;
	[smem:$0x3FB6] =	sst s0  }
0x18: {  	s0 =	sld [smem:$0x3F99];
	_ =	swait.ge [sflag:s4], $0x0  }
0x19: {  	s7 =	sld [smem:$0x3F9A]  }
0x1a: {  	s8 =	sadd.s32 $0xFFFFE003, lr  }
0x1b: {  	s9 =	sadd.s32 $0xFFFFFEF7, lr;
	s5 =	simm.s32 $0xFFFFFFFF;
	p2 =	slt.u32 s8, $0xFFFFF086  }
0x1c: {  	p1 =	slt.u32 s9, $0xF7A;
	s5 =	simm.s32 @!p2 $0x0  }
0x1d: {  	s5 =	simm.s32 @p1 $0x1;
	p0 =	seq.s32 s7, s2  }
0x1e: {  	s7 =	smul.u32 @!p0 $0xF7A, s2;
	p2 =	seq.s32 @!p0 s5, $0x0  }
0x1f: {  	s9 =	smul.u32 $0xF7A, s1;
	s8 =	simm.s32 @!p0 $0x1BF5;
	p2 =	por !p2, p0  }
0x20: {  	[sflag:s8] =	ssyncset.s32 @!p0 $0xFFFFF086;
	s6 =	sadd.s32 @!p0 s3, s7;
	s7 =	simm.s32 @!p0 $0x108  }
0x21: {  	s3 =	sadd.s32 s3, s9;
	s6 =	sadd.s32 @!p0 $0x88, s6;
	s7 =	simm.s32 @p2 $0x1082  }
0x22: {  	[simem:s7], [sflag:s8] =	dma.local @!p0 [hbm:s6], $0xF7A  }
0x23: {  	s9 =	sor.u32 $0xD0000000, s2;
	s6 =	simm.s32 $0x108;
	_ =	swait.ge @!p0 [sflag:s8], $0x0  }
0x24: {  	s3 =	sadd.s32 $0x88, s3;
	s6 =	simm.s32 @!p1 $0x1082;
	[sflag:s4] =	ssyncset.s32 $0xFFFFF086  }
0x25: {  	[simem:s6], [sflag:s4] =	dma.local [hbm:s3], $0xF7A  }
0x26: {  	[smem:$0x3F9A] =	sst s1;
	(tag) =	ssettag s2;
	_ =	strace s9  }
0x27: {  	s1 =	sld [smem:$0x3FAA]  }
0x28: {  	s2 =	sld [smem:$0x3FAB]  }
0x29: {  	s4 =	sld [smem:$0x3FAD]  }
0x2a: {  	p0 =	seq.s32 s5, $0x0;
	s5 =	sld [smem:$0x3FAE]  }
0x2b: {  	s6 =	sld [smem:$0x3FAF]  }
0x2c: {  	s7 =	sld [smem:$0x3FB0]  }
0x2d: {  	s3 =	simm.s32 $0x108;
	s8 =	sld [smem:$0x3FB1]  }
0x2e: {  	s3 =	simm.s32 @!p0 $0x1082;
	s9 =	sld [smem:$0x3FB2]  }
0x2f: {  	lr =	sadd.s32 s0, s3;
	s0 =	sld [smem:$0x3FA9]  }
0x30: {  	s3 =	sld [smem:$0x3FAC]  }
0x31: {  	[smem:$0x3FB5] =	sst s10  }
0x32: {  	s10 =	sld [smem:$0x3FB3];
	_ =	sdelay $0x3  }
0x33: {  	p0 =	seq.s32 s10, $0x1;
	s10 =	sld [smem:$0x3FB5];
	_ =	sdelay $0x3  }
0x34: {  	[smem:$0x3FB5] =	sst s10  }
0x35: {  	s10 =	sld [smem:$0x3FB4];
	_ =	sdelay $0x3  }
0x36: {  	p1 =	seq.s32 s10, $0x1;
	s10 =	sld [smem:$0x3FB5];
	_ =	sdelay $0x3  }
0x37: {  	[smem:$0x3FB5] =	sst s10  }
0x38: {  	s10 =	sld [smem:$0x3FB6]  }
0x39: {  	_ = 	snop;
	(pc) =	sbr.ind lr, $3  }
0x3a: {  	_ = 	snop  }
0x3b: {  	_ = 	snop  }
0x3c: {  	p2 =	seq.s32 s10, $0x1;
	s10 =	sld [smem:$0x3FB5]  }
0x3d: {  	_ =	shalt  }
0x3e: {  	_ =	shalt  }
0x3f: {  	_ =	shalt  }
0x40: {  	_ =	shalt  }
0x41: {  	_ =	shalt  }
0x42: {  	_ =	shalt  }
0x43: {  	_ =	shalt  }
0x44: {  	_ =	shalt  }
0x45: {  	_ =	shalt  }
0x46: {  	_ =	shalt  }
0x47: {  	_ =	shalt  }
0x48: {  	_ =	shalt  }
0x49: {  	_ =	shalt  }
0x4a: {  	_ =	shalt  }
0x4b: {  	_ =	shalt  }
0x4c: {  	_ =	shalt  }
0x4d: {  	_ =	shalt  }
0x4e: {  	_ =	shalt  }
0x4f: {  	_ =	shalt  }
0x50: {  	_ =	shalt  }
0x51: {  	_ =	shalt  }
0x52: {  	_ =	shalt  }
0x53: {  	_ =	shalt  }
0x54: {  	_ =	shalt  }
0x55: {  	_ =	shalt  }
0x56: {  	_ =	shalt  }
0x57: {  	_ =	shalt  }
0x58: {  	_ =	shalt  }
0x59: {  	_ =	shalt  }
0x5a: {  	_ =	shalt  }
0x5b: {  	_ =	shalt  }
0x5c: {  	_ =	shalt  }
0x5d: {  	_ =	shalt  }
0x5e: {  	_ =	shalt  }
0x5f: {  	_ =	shalt  }
0x60: {  	_ =	shalt  }
0x61: {  	_ =	shalt  }
0x62: {  	_ =	shalt  }
0x63: {  	_ =	shalt  }
0x64: {  	_ =	shalt  }
0x65: {  	_ =	shalt  }
0x66: {  	_ =	shalt  }
0x67: {  	_ =	shalt  }
0x68: {  	_ =	shalt  }
0x69: {  	_ =	shalt  }
0x6a: {  	_ =	shalt  }
0x6b: {  	_ =	shalt  }
0x6c: {  	_ =	shalt  }
0x6d: {  	_ =	shalt  }
0x6e: {  	_ =	shalt  }
0x6f: {  	_ =	shalt  }
0x70: {  	_ =	shalt  }
0x71: {  	_ =	shalt  }
0x72: {  	_ =	shalt  }
0x73: {  	_ =	shalt  }
0x74: {  	_ =	shalt  }
0x75: {  	_ =	shalt  }
0x76: {  	_ =	shalt  }
0x77: {  	_ =	shalt  }
0x78: {  	_ =	shalt  }
0x79: {  	_ =	shalt  }
0x7a: {  	_ =	shalt  }
0x7b: {  	_ =	shalt  }
0x7c: {  	_ =	shalt  }
0x7d: {  	_ =	shalt  }
0x7e: {  	_ =	shalt  }
0x7f: {  	_ =	shalt  }
0x80: {  	_ =	shalt  }
0x81: {  	_ =	shalt  }
0x82: {  	_ =	shalt  }
0x83: {  	_ =	shalt  }
0x84: {  	_ =	shalt  }
0x85: {  	_ =	shalt  }
0x86: {  	_ =	shalt  }
0x87: {  	_ =	shalt  }
.Lfunc_end0:
.L_simem_size_0:
called_computation_lowered:
.L_overlay_start_0:
0x88: {  	s2 =	sld [smem:$0x3FD9]  }
0x89: {  	s3 =	sld [smem:$0x3FFE];
	_ =	sdelay $0x1  }
0x8a: {  	s1 =	srdreg.scid  }
0x8b: {  	s0 =	sand.u32 $0x1, s1  }
0x8c: {  	s16 =	sshll.u32 s0, $0xA;
	s2 =	sadd.s32 s3, s2  }
0x8d: {  	s2 =	sadd.s32 s2, s16  }
0x8e: {  	[smem:$0x3FC1] =	sst s2  }
0x8f: {  	_ = 	snop  }
0x90: {  	(tm) =	ssettm $0x1  }
0x91: {  	s17 =	sld [smem:$0x3FFB];
	_ =	sdelay $0x3  }
0x92: {  	_ =	strace s17  }
0x93: {  	s2 =	sld [smem:$0x3FFC];
	_ =	sdelay $0x3  }
0x94: {  	_ =	strace s2  }
0x95: {  	s2 =	sld [smem:$0x3FFD];
	_ =	sdelay $0x3  }
0x96: {  	_ =	strace s2  }
0x97: {  	_ =	strace $0x8FFFFFFF  }
0x98: {  	s18 =	sld [smem:$0x3FDB];
	_ =	sdelay $0x1  }
0x99: {  	s19 =	simm.s32 $_scs_section_size  }
0x9a: {  	s4 =	simm.s32 $_size__tile_overlayer_lowered;
	s5 =	simm.s32 $_tile_overlayer_lowered  }
0x9b: {  	s22 =	simm.s32 $0x1BFF;
	s21 =	sshll.u32 s5, $0x1;
	s2 =	sadd.s32 s19, s18  }
0x9c: {  	s6 =	simm.s32 $0x0;
	s20 =	sshll.u32 s4, $0x1;
	s4 =	sadd.s32 s21, s2  }
0x9d: {  	[timem:s6], [sflag:s22] =	dma.local [hbm:s4], s20  }
0x9e: {  	_ =	swait.ge [sflag:s22], s20  }
0x9f: {  	s3 =	ssub.s32 $0x0, s20;
	[sflag:s22] =	ssyncset.done $0x0  }
0xa0: {  	[sflag:s22] =	ssyncadd.s32 s3;
	_ =	sdelay $0x1  }
0xa1: {  	s23 =	simm.s32 $0x1B8B  }
0xa2: {  	_ =	swait.ge [sflag:s23], $0x1  }
0xa3: {  	[sflag:s23] =	ssyncset.done $0x0  }
0xa4: {  	s25 =	simm.s32 $0x1B8E;
	s24 =	sld [smem:$0x3FFE];
	[sflag:s23] =	ssyncadd.s32 $0xFFFFFFFF  }
0xa5: {  	s26 =	simm.s32 $execute0_lowered;
	[smem:$0x3FD2] =	sst s25  }
0xa6: {  	s4 =	sshll.u32 s26, $0x1;
	_ =	strace $0x80000046;
	[dreg:$0x1] =	wrdreg $0xFFFFFFFF  }
0xa7: {  	s28 =	simm.s32 $_size_execute0_lowered;
	s2 =	sadd.s32 s2, s4;
	[dreg:$0x0] =	wrdreg $0x0  }
0xa8: {  	s4 =	sshll.u32 s28, $0x1;
	[dreg:$0x2] =	wrdreg s2  }
0xa9: {  	[dreg:$0x3] =	wrdreg s4  }
0xaa: {  	[dreg:$0x4] =	wrdreg $0xC0  }
0xab: {  	_ =	task [dreg:s6], $0x5FFFF  }
0xac: {  	[dreg:$0x1] =	wrdreg $0xFFFFFFFF  }
0xad: {  	[dreg:$0x0] =	wrdreg $0x60  }
0xae: {  	[dreg:$0x2] =	wrdreg s24  }
0xaf: {  	[dreg:$0x3] =	wrdreg $0x54100  }
0xb0: {  	[dreg:$0x4] =	wrdreg $0x9  }
0xb1: {  	_ =	task.clear_ibuf [dreg:s6], $0x5FFFF;
	_ =	strace $0x90000046  }
0xb2: {  	s29 =	simm.s32 $0x9;
	_ =	strace $0x80000048  }
0xb3: {  	_ =	swait.ge [sflag:s29], $0x1  }
0xb4: {  	[sflag:s29] =	ssyncadd.s32 $0xFFFFFFFF  }
0xb5: {  	_ =	strace $0x90000048  }
0xb6: {  	_ =	sfence  }
0xb7: {  	s30 =	sld [smem:$0x0];
	_ =	sdelay $0x2  }
0xb8: {  	s31 =	sshll.u32 s1, $0xD;
	s1 =	sshrl.u32 s1, $0x2  }
0xb9: {  	s3 =	sand.u32 $0x4000, s31;
	s1 =	sadd.s32 s1, s30  }
0xba: {  	s0 =	sor.u32 s3, s0;
	s1 =	sshll.u32 s1, $0x11  }
0xbb: {  	s0 =	sor.u32 s1, s0  }
0xbc: {  	s0 =	sadd.s32 $0x8F2B, s0  }
0xbd: {  	[sflag:s0] =	ssyncadd.remote.s32 $0x1  }
0xbe: {  	_ =	sfence.sel $0xFFFF  }
0xbf: {  	[dreg:$0x0] =	wrdreg $0xFFFFFFFF;
	(pc) =	sbr.abs _section_cstart, $3  }
0xc0: {  	[dreg:$0x1] =	wrdreg $0xFFFFFFFF  }
0xc1: {  	_ =	task.clear_ibuf [dreg:s6], $0x2FFFF;
	_ =	strace $0x9FFFFFFF  }
0xc2: {  	(tm) =	ssettm $0x7FFFFFFF  }
0xc3: {  	_ =	shalt  }
tec
execute0_lowered:
.L_overlay_start_1:
0x0: {  	(tag) =	ssettag $0x1  }
0x1: {  	s3 =	rddreg [dreg:$0x0]  }
0x2: {  	s5 =	rddreg [dreg:$0x1];
	s2 =	srdreg.scid  }
0x3: {  	s1 =	stileid.u32;
	s0 =	rddreg [dreg:$0x2];
	s11 =	simm.s32 $0x5190  }
0x4: {  	s12 =	simm.s32 $0x0;
	s4 =	sand.u32 $0x1, s2;
	s6 =	smul.u32 $0x280, s1  }
0x5: {  	s2 =	simm.s32 $0x0;
	s9 =	smul.u32 $0xA000, s1;
	s7 =	sshll.u32 s4, $0x4  }
0x6: {  	s8 =	smul.u32 $0x2800, s4;
	[smem:$0x7FF] =	sst s2;
	s4 =	ssub.s32 $0x2, s4  }
0x7: {  	s7 =	sor.u32 s1, s7;
	_ =	strace $0x80000047;
	s30 =	sshrl.u32 s4, $0x1  }
0x8: {  	s31 =	sshrl.u32 s9, $0x2;
	s7 =	smul.u32 $0x4E2, s7;
	s8 =	sadd.s32 s6, s8  }
0x9: {  	s9 =	simm.s32 $0x1;
	s10 =	ssub.s32 s4, s30;
	s8 =	sshrl.u32 s8, $0x3  }
0xa: {  	s4 =	sadd.s32 s31, s5;
	s7 =	sadd.s32 s7, s3;
	s8 =	sadd.s32 s8, s3  }
0xb: {  	s5 =	sadd.s32 s6, s5;
	s3 =	sadd.s32 $0xAA00, s7;
	s6 =	sadd.s32 $0x14800, s8  }
0xc: {  	v0 =	vimm.f32 $0.0e+00;
	v1 =	vimm.f32 $1.000000000e+00;
	s7 =	smax.u32 s10, $0x1;
	s8 =	simm.s32 $0x2800;
	s10 =	simm.s32 $0x4F10  }
.LBB2_1:
0xd: {  	s13 =	simm.s32 $0x40;
	s14 =	simm.s32 $0x0  }
.LBB2_2:
0xe: {  	p0 =	sne.s32 s13, $0x9FC0;
	[tilespmem:s14+$0x0] =	vst v0;
	s14 =	smov.u32 s13;
	s13 =	sadd.s32 $0x40, s13  }
.Ltmp0:
0xf: {  	(pc) =	sbr.rel @p0 .LBB2_2-.Ltmp0, $2  }
0x10: {  	_ =	sdelay $0x2  }
0x11: {  	s14 =	sshra.s32 s14, $0x2  }
0x12: {  	[tilespmem:s14+$0x0] =	vst v0  }
0x13: {  	[tilespmem:s8], [sflag:$0x1] =	stream.linear.gather [hbm4b:s3+s2], $0x2710, $0x38;
	[tilespmem:$0x7C10] =	vst v63  }
0x14: {  	_ =	swait.ge [sflag:s9], $0x2710  }
0x15: {  	[sflag:s9] =	ssyncset.done $0x0  }
0x16: {  	s13 =	simm.s32 $0x100;
	[sflag:s9] =	ssyncadd.s32 $0xFFFFD8F0  }
.LBB2_4:
0x17: {  	s14 =	sshra.s32 s13, $0x2  }
0x18: {  	v2 =	vld [tilespmem:s14+$0x27C0];
	_ =	sdelay $0x7  }
0x19: {  	[tilespmem:v2+s2+$0x0] =	vst.idx.add.f32.msk $0xffff, v1  }
0x1a: {  	v2 =	vld [tilespmem:s14+$0x27D0];
	_ =	sdelay $0x7  }
0x1b: {  	[tilespmem:v2+s2+$0x0] =	vst.idx.add.f32.msk $0xffff, v1  }
0x1c: {  	v2 =	vld [tilespmem:s14+$0x27E0];
	_ =	sdelay $0x7  }
0x1d: {  	[tilespmem:v2+s2+$0x0] =	vst.idx.add.f32.msk $0xffff, v1  }
0x1e: {  	v2 =	vld [tilespmem:s14+$0x27F0];
	_ =	sdelay $0x7  }
0x1f: {  	[tilespmem:v2+s2+$0x0] =	vst.idx.add.f32.msk $0xffff, v1  }
0x20: {  	v2 =	vld [tilespmem:s14+$0x2800];
	_ =	sdelay $0x2  }
0x21: {  	p0 =	sne.s32 s13, $0x9C00  }
.Ltmp1:
0x22: {  	_ = 	snop;
	(pc) =	sbr.rel @p0 .LBB2_4-.Ltmp1, $2  }
0x23: {  	_ =	sdelay $0x2  }
0x24: {  	s13 =	sadd.s32 $0x140, s13;
	[tilespmem:v2+s2+$0x0] =	vst.idx.add.f32.msk $0xffff, v1  }
0x25: {  	[spmem:s4] =	stream.linear.scatter [tilespmem:s2], [sflag:$0x1], $0x2800, $0x38;
	[tilespmem:$0x7C10] =	vst v63  }
0x26: {  	s13 =	simm.s32 $0x1  }
0x27: {  	_ =	swait.ge [sflag:s13], $0x2800  }
0x28: {  	[sflag:s13] =	ssyncset.done $0x0  }
0x29: {  	[sflag:s13] =	ssyncadd.s32 $0xFFFFD800  }
0x2a: {  	[bflag:$0x0] =	sbarrier.arrive $0xFFFF  }
0x2b: {  	[tilespmem:s10], [sflag:$0x1] =	stream.linear.gather [spmem:s5], $0x280, $0x38;
	[tilespmem:$0x7C10] =	vst v63  }
0x2c: {  	_ =	swait.ge [sflag:s13], $0x280  }
0x2d: {  	[sflag:s13] =	ssyncset.done $0x0  }
0x2e: {  	[sflag:s13] =	ssyncadd.s32 $0xFFFFFD80  }
.LBB2_6:
0x2f: {  	s14 =	smul.u32 $0xA000, s13;
	_ =	sdelay $0x1  }
0x30: {  	s14 =	sshra.s32 s14, $0x2  }
0x31: {  	s14 =	sadd.s32 s14, s5  }
0x32: {  	[tilespmem:s11], [sflag:$0x1] =	stream.linear.gather [spmem:s14], $0x280, $0x38;
	[tilespmem:$0x7C10] =	vst v63  }
0x33: {  	_ =	swait.ge [sflag:s9], $0x280  }
0x34: {  	[sflag:s9] =	ssyncset.done $0x0  }
0x35: {  	s14 =	simm.s32 $0x0;
	[sflag:s9] =	ssyncadd.s32 $0xFFFFFD80  }
0x36: {  	s15 =	simm.s32 $0x40;
	v2 =	vld [tilespmem:s14+$0x5190]  }
.LBB2_7:
0x37: {  	p0 =	sne.s32 s15, $0x9C0;
	v3 =	vld [tilespmem:s14+$0x4F10];
	_ =	sdelay $0x2  }
.Ltmp2:
0x38: {  	(pc) =	sbr.rel @p0 .LBB2_7-.Ltmp2, $4  }
0x39: {  	_ = 	snop  }
0x3a: {  	v3 =	vadd.f32 v2, v3  }
0x3b: {  	s16 =	sshra.s32 s15, $0x2  }
0x3c: {  	s15 =	sadd.s32 $0x40, s15;
	v2 =	vld [tilespmem:s16+$0x5190];
	[tilespmem:s14+$0x4F10] =	vst v3;
	s14 =	smov.u32 s16  }
0x3d: {  	v3 =	vld [tilespmem:s14+$0x4F10]  }
0x3e: {  	s13 =	sadd.s32 $0x1, s13  }
0x3f: {  	p0 =	sne.s32 s13, $0x10  }
.Ltmp3:
0x40: {  	_ = 	snop;
	(pc) =	sbr.rel @p0 .LBB2_6-.Ltmp3, $3  }
0x41: {  	_ = 	snop  }
0x42: {  	v2 =	vadd.f32 v2, v3;
	_ =	sdelay $0x1  }
0x43: {  	[tilespmem:s14+$0x4F10] =	vst v2  }
0x44: {  	s12 =	sadd.s32 $0x1, s12  }
0x45: {  	p0 =	sne.s32 s12, s7  }
.Ltmp4:
0x46: {  	_ = 	snop;
	(pc) =	sbr.rel @p0 .LBB2_1-.Ltmp4, $4  }
0x47: {  	[hbm4b:s6+s2] =	stream.linear.scatter [tilespmem:s10], [sflag:$0x1], $0x280, $0x38;
	[tilespmem:$0x7C10] =	vst v63  }
0x48: {  	_ =	swait.ge [sflag:s9], $0x280  }
0x49: {  	[sflag:s9] =	ssyncset.done $0x0  }
0x4a: {  	[sflag:s9] =	ssyncadd.s32 $0xFFFFFD80  }
0x4b: {  	_ =	sfence.sel $0x180000  }
0x4c: {  	[bflag:$0x0] =	sbarrier.arrive $0xFFFF  }
0x4d: {  	p0 =	sne.s32 s1, $0x0;
	_ =	strace $0x90000047  }
0x4e: {  	s0 =	sadd.s32 @!p0 $0x100000, s0;
	[bflag:$0x2] =	sbarrier.arrive $0xFFFF  }
0x4f: {  	[sflag:s0] =	ssyncadd.tile.s32 @!p0 $0x1;
	_ =	shalt  }
.Lfunc_end2:
_tile_overlayer_lowered:
.L_overlay_start_2:
0x50: {  	(tag) =	ssettag $0x2  }
0x51: {  	s0 =	rddreg [dreg:$0x0];
	s2 =	stileid.u32  }
0x52: {  	s1 =	rddreg [dreg:$0x1];
	p0 =	sne.s32 s2, $0x0  }
0x53: {  	s3 =	rddreg [dreg:$0x2];
	[bflag:$0x3] =	sbarrier.arrive $0xFFFF;
	s2 =	simm.s32 @!p0 $0x1C01  }
0x54: {  	[timem:s3], [sflag:s2] =	dma.local @!p0 [hbm:s0], s1  }
0x55: {  	s0 =	simm.s32 @!p0 $0x1  }
0x56: {  	_ =	swait.ge @!p0 [sflag:s0], s1  }
0x57: {  	s1 =	ssub.s32 @!p0 $0x0, s1;
	[sflag:s0] =	ssyncset.done @!p0 $0x0  }
0x58: {  	[sflag:s0] =	ssyncadd.s32 @!p0 s1  }
0x59: {  	[bflag:$0x3] =	sbarrier.arrive $0xFFFF  }
0x5a: {  	_ =	shalt  }

// kernel: kernel.9.cloned.1.call-start
scs
__scs_entry_jumppad:
0x0: {  	(pc) =	sbr.rel $0x88, $3  }
0x1: {  	(tag) =	ssettag $0x0;
	lr =	simm.s32 $0x1  }
0x2: {  	[smem:$0x3F9A] =	sst lr;
	_ =	strace $0xD0000000  }
0x3: {  	_ = 	snop  }
0x4: {  	_ = 	snop  }
0x5: {  	_ = 	snop  }
0x6: {  	_ = 	snop  }
0x7: {  	_ = 	snop  }
__scs_overlays_trampoline_lowered:
0x8: {  	[smem:$0x3FA9] =	sst s0  }
0x9: {  	[smem:$0x3FAA] =	sst s1  }
0xa: {  	[smem:$0x3FAB] =	sst s2  }
0xb: {  	[smem:$0x3FAC] =	sst s3  }
0xc: {  	[smem:$0x3FAD] =	sst s4  }
0xd: {  	[smem:$0x3FAE] =	sst s5  }
0xe: {  	[smem:$0x3FAF] =	sst s6  }
0xf: {  	[smem:$0x3FB0] =	sst s7  }
0x10: {  	[smem:$0x3FB1] =	sst s8  }
0x11: {  	[smem:$0x3FB2] =	sst s9;
	s0 =	simm.s32 @!p0 $0x0  }
0x12: {  	s1 =	sld [smem:$0x3F98];
	s0 =	simm.s32 @p0 $0x1  }
0x13: {  	[smem:$0x3FB3] =	sst s0;
	s0 =	simm.s32 @!p1 $0x0  }
0x14: {  	s2 =	sld [smem:$0x3F97];
	s0 =	simm.s32 @p1 $0x1  }
0x15: {  	[smem:$0x3FB4] =	sst s0;
	s0 =	simm.s32 @!p2 $0x0  }
0x16: {  	s3 =	sld [smem:$0x3FDB];
	s0 =	simm.s32 @p2 $0x1  }
0x17: {  	s4 =	simm.s32 $0x1BF5;
	[smem:$0x3FB6] =	sst s0  }
0x18: {  	s0 =	sld [smem:$0x3F99];
	_ =	swait.ge [sflag:s4], $0x0  }
0x19: {  	s7 =	sld [smem:$0x3F9A]  }
0x1a: {  	s8 =	sadd.s32 $0xFFFFE003, lr  }
0x1b: {  	s9 =	sadd.s32 $0xFFFFFEF7, lr;
	s5 =	simm.s32 $0xFFFFFFFF;
	p2 =	slt.u32 s8, $0xFFFFF086  }
0x1c: {  	p1 =	slt.u32 s9, $0xF7A;
	s5 =	simm.s32 @!p2 $0x0  }
0x1d: {  	s5 =	simm.s32 @p1 $0x1;
	p0 =	seq.s32 s7, s2  }
0x1e: {  	s7 =	smul.u32 @!p0 $0xF7A, s2;
	p2 =	seq.s32 @!p0 s5, $0x0  }
0x1f: {  	s9 =	smul.u32 $0xF7A, s1;
	s8 =	simm.s32 @!p0 $0x1BF5;
	p2 =	por !p2, p0  }
0x20: {  	[sflag:s8] =	ssyncset.s32 @!p0 $0xFFFFF086;
	s6 =	sadd.s32 @!p0 s3, s7;
	s7 =	simm.s32 @!p0 $0x108  }
0x21: {  	s3 =	sadd.s32 s3, s9;
	s6 =	sadd.s32 @!p0 $0x88, s6;
	s7 =	simm.s32 @p2 $0x1082  }
0x22: {  	[simem:s7], [sflag:s8] =	dma.local @!p0 [hbm:s6], $0xF7A  }
0x23: {  	s9 =	sor.u32 $0xD0000000, s2;
	s6 =	simm.s32 $0x108;
	_ =	swait.ge @!p0 [sflag:s8], $0x0  }
0x24: {  	s3 =	sadd.s32 $0x88, s3;
	s6 =	simm.s32 @!p1 $0x1082;
	[sflag:s4] =	ssyncset.s32 $0xFFFFF086  }
0x25: {  	[simem:s6], [sflag:s4] =	dma.local [hbm:s3], $0xF7A  }
0x26: {  	[smem:$0x3F9A] =	sst s1;
	(tag) =	ssettag s2;
	_ =	strace s9  }
0x27: {  	s1 =	sld [smem:$0x3FAA]  }
0x28: {  	s2 =	sld [smem:$0x3FAB]  }
0x29: {  	s4 =	sld [smem:$0x3FAD]  }
0x2a: {  	p0 =	seq.s32 s5, $0x0;
	s5 =	sld [smem:$0x3FAE]  }
0x2b: {  	s6 =	sld [smem:$0x3FAF]  }
0x2c: {  	s7 =	sld [smem:$0x3FB0]  }
0x2d: {  	s3 =	simm.s32 $0x108;
	s8 =	sld [smem:$0x3FB1]  }
0x2e: {  	s3 =	simm.s32 @!p0 $0x1082;
	s9 =	sld [smem:$0x3FB2]  }
0x2f: {  	lr =	sadd.s32 s0, s3;
	s0 =	sld [smem:$0x3FA9]  }
0x30: {  	s3 =	sld [smem:$0x3FAC]  }
0x31: {  	[smem:$0x3FB5] =	sst s10  }
0x32: {  	s10 =	sld [smem:$0x3FB3];
	_ =	sdelay $0x3  }
0x33: {  	p0 =	seq.s32 s10, $0x1;
	s10 =	sld [smem:$0x3FB5];
	_ =	sdelay $0x3  }
0x34: {  	[smem:$0x3FB5] =	sst s10  }
0x35: {  	s10 =	sld [smem:$0x3FB4];
	_ =	sdelay $0x3  }
0x36: {  	p1 =	seq.s32 s10, $0x1;
	s10 =	sld [smem:$0x3FB5];
	_ =	sdelay $0x3  }
0x37: {  	[smem:$0x3FB5] =	sst s10  }
0x38: {  	s10 =	sld [smem:$0x3FB6]  }
0x39: {  	_ = 	snop;
	(pc) =	sbr.ind lr, $3  }
0x3a: {  	_ = 	snop  }
0x3b: {  	_ = 	snop  }
0x3c: {  	p2 =	seq.s32 s10, $0x1;
	s10 =	sld [smem:$0x3FB5]  }
0x3d: {  	_ =	shalt  }
0x3e: {  	_ =	shalt  }
0x3f: {  	_ =	shalt  }
0x40: {  	_ =	shalt  }
0x41: {  	_ =	shalt  }
0x42: {  	_ =	shalt  }
0x43: {  	_ =	shalt  }
0x44: {  	_ =	shalt  }
0x45: {  	_ =	shalt  }
0x46: {  	_ =	shalt  }
0x47: {  	_ =	shalt  }
0x48: {  	_ =	shalt  }
0x49: {  	_ =	shalt  }
0x4a: {  	_ =	shalt  }
0x4b: {  	_ =	shalt  }
0x4c: {  	_ =	shalt  }
0x4d: {  	_ =	shalt  }
0x4e: {  	_ =	shalt  }
0x4f: {  	_ =	shalt  }
0x50: {  	_ =	shalt  }
0x51: {  	_ =	shalt  }
0x52: {  	_ =	shalt  }
0x53: {  	_ =	shalt  }
0x54: {  	_ =	shalt  }
0x55: {  	_ =	shalt  }
0x56: {  	_ =	shalt  }
0x57: {  	_ =	shalt  }
0x58: {  	_ =	shalt  }
0x59: {  	_ =	shalt  }
0x5a: {  	_ =	shalt  }
0x5b: {  	_ =	shalt  }
0x5c: {  	_ =	shalt  }
0x5d: {  	_ =	shalt  }
0x5e: {  	_ =	shalt  }
0x5f: {  	_ =	shalt  }
0x60: {  	_ =	shalt  }
0x61: {  	_ =	shalt  }
0x62: {  	_ =	shalt  }
0x63: {  	_ =	shalt  }
0x64: {  	_ =	shalt  }
0x65: {  	_ =	shalt  }
0x66: {  	_ =	shalt  }
0x67: {  	_ =	shalt  }
0x68: {  	_ =	shalt  }
0x69: {  	_ =	shalt  }
0x6a: {  	_ =	shalt  }
0x6b: {  	_ =	shalt  }
0x6c: {  	_ =	shalt  }
0x6d: {  	_ =	shalt  }
0x6e: {  	_ =	shalt  }
0x6f: {  	_ =	shalt  }
0x70: {  	_ =	shalt  }
0x71: {  	_ =	shalt  }
0x72: {  	_ =	shalt  }
0x73: {  	_ =	shalt  }
0x74: {  	_ =	shalt  }
0x75: {  	_ =	shalt  }
0x76: {  	_ =	shalt  }
0x77: {  	_ =	shalt  }
0x78: {  	_ =	shalt  }
0x79: {  	_ =	shalt  }
0x7a: {  	_ =	shalt  }
0x7b: {  	_ =	shalt  }
0x7c: {  	_ =	shalt  }
0x7d: {  	_ =	shalt  }
0x7e: {  	_ =	shalt  }
0x7f: {  	_ =	shalt  }
0x80: {  	_ =	shalt  }
0x81: {  	_ =	shalt  }
0x82: {  	_ =	shalt  }
0x83: {  	_ =	shalt  }
0x84: {  	_ =	shalt  }
0x85: {  	_ =	shalt  }
0x86: {  	_ =	shalt  }
0x87: {  	_ =	shalt  }
.Lfunc_end0:
.L_simem_size_0:
called_computation.1_lowered:
.L_overlay_start_0:
0x88: {  	s2 =	sld [smem:$0x3FD9]  }
0x89: {  	s3 =	sld [smem:$0x3FFE];
	_ =	sdelay $0x1  }
0x8a: {  	s1 =	srdreg.scid  }
0x8b: {  	s0 =	sand.u32 $0x1, s1  }
0x8c: {  	s16 =	sshll.u32 s0, $0xA;
	s2 =	sadd.s32 s3, s2  }
0x8d: {  	s2 =	sadd.s32 s2, s16  }
0x8e: {  	[smem:$0x3FC1] =	sst s2  }
0x8f: {  	_ = 	snop  }
0x90: {  	(tm) =	ssettm $0x1  }
0x91: {  	s17 =	sld [smem:$0x3FFB];
	_ =	sdelay $0x3  }
0x92: {  	_ =	strace s17  }
0x93: {  	s2 =	sld [smem:$0x3FFC];
	_ =	sdelay $0x3  }
0x94: {  	_ =	strace s2  }
0x95: {  	s2 =	sld [smem:$0x3FFD];
	_ =	sdelay $0x3  }
0x96: {  	_ =	strace s2  }
0x97: {  	_ =	strace $0x8FFFFFFF  }
0x98: {  	s18 =	sld [smem:$0x3FDB];
	_ =	sdelay $0x1  }
0x99: {  	s19 =	simm.s32 $_scs_section_size  }
0x9a: {  	s4 =	simm.s32 $_size__tile_overlayer_lowered;
	s5 =	simm.s32 $_tile_overlayer_lowered  }
0x9b: {  	s22 =	simm.s32 $0x1BFF;
	s21 =	sshll.u32 s5, $0x1;
	s2 =	sadd.s32 s19, s18  }
0x9c: {  	s6 =	simm.s32 $0x0;
	s20 =	sshll.u32 s4, $0x1;
	s4 =	sadd.s32 s21, s2  }
0x9d: {  	[timem:s6], [sflag:s22] =	dma.local [hbm:s4], s20  }
0x9e: {  	_ =	swait.ge [sflag:s22], s20  }
0x9f: {  	s3 =	ssub.s32 $0x0, s20;
	[sflag:s22] =	ssyncset.done $0x0  }
0xa0: {  	[sflag:s22] =	ssyncadd.s32 s3;
	_ =	sdelay $0x1  }
0xa1: {  	s23 =	simm.s32 $0x1B8B  }
0xa2: {  	_ =	swait.ge [sflag:s23], $0x1  }
0xa3: {  	[sflag:s23] =	ssyncset.done $0x0  }
0xa4: {  	s25 =	simm.s32 $0x1B8E;
	s24 =	sld [smem:$0x3FFE];
	[sflag:s23] =	ssyncadd.s32 $0xFFFFFFFF  }
0xa5: {  	s26 =	simm.s32 $execute0_lowered;
	[smem:$0x3FD2] =	sst s25  }
0xa6: {  	s4 =	sshll.u32 s26, $0x1;
	_ =	strace $0x80000049;
	[dreg:$0x1] =	wrdreg $0xFFFFFFFF  }
0xa7: {  	s28 =	simm.s32 $_size_execute0_lowered;
	s2 =	sadd.s32 s2, s4;
	[dreg:$0x0] =	wrdreg $0x0  }
0xa8: {  	s4 =	sshll.u32 s28, $0x1;
	[dreg:$0x2] =	wrdreg s2  }
0xa9: {  	[dreg:$0x3] =	wrdreg s4  }
0xaa: {  	[dreg:$0x4] =	wrdreg $0xC0  }
0xab: {  	_ =	task [dreg:s6], $0x5FFFF  }
0xac: {  	[dreg:$0x1] =	wrdreg $0xFFFFFFFF  }
0xad: {  	[dreg:$0x0] =	wrdreg $0x60  }
0xae: {  	[dreg:$0x2] =	wrdreg s24  }
0xaf: {  	[dreg:$0x3] =	wrdreg $0x76200  }
0xb0: {  	[dreg:$0x4] =	wrdreg $0x9  }
0xb1: {  	_ =	task.clear_ibuf [dreg:s6], $0x5FFFF;
	_ =	strace $0x90000049  }
0xb2: {  	s29 =	simm.s32 $0x9;
	_ =	strace $0x8000004B  }
0xb3: {  	_ =	swait.ge [sflag:s29], $0x1  }
0xb4: {  	[sflag:s29] =	ssyncadd.s32 $0xFFFFFFFF  }
0xb5: {  	_ =	strace $0x9000004B  }
0xb6: {  	_ =	sfence  }
0xb7: {  	s30 =	sld [smem:$0x0];
	_ =	sdelay $0x2  }
0xb8: {  	s31 =	sshll.u32 s1, $0xD;
	s1 =	sshrl.u32 s1, $0x2  }
0xb9: {  	s3 =	sand.u32 $0x4000, s31;
	s1 =	sadd.s32 s1, s30  }
0xba: {  	s0 =	sor.u32 s3, s0;
	s1 =	sshll.u32 s1, $0x11  }
0xbb: {  	s0 =	sor.u32 s1, s0  }
0xbc: {  	s0 =	sadd.s32 $0x8F2B, s0  }
0xbd: {  	[sflag:s0] =	ssyncadd.remote.s32 $0x1  }
0xbe: {  	_ =	sfence.sel $0xFFFF  }
0xbf: {  	[dreg:$0x0] =	wrdreg $0xFFFFFFFF;
	(pc) =	sbr.abs _section_cstart, $3  }
0xc0: {  	[dreg:$0x1] =	wrdreg $0xFFFFFFFF  }
0xc1: {  	_ =	task.clear_ibuf [dreg:s6], $0x2FFFF;
	_ =	strace $0x9FFFFFFF  }
0xc2: {  	(tm) =	ssettm $0x7FFFFFFF  }
0xc3: {  	_ =	shalt  }
tec
execute0_lowered:
.L_overlay_start_1:
0x0: {  	(tag) =	ssettag $0x1  }
0x1: {  	s0 =	rddreg [dreg:$0x0]  }
0x2: {  	s2 =	rddreg [dreg:$0x1]  }
0x3: {  	s3 =	srdreg.scid;
	s1 =	stileid.u32  }
0x4: {  	s17 =	simm.s32 $0x5;
	s18 =	simm.s32 $0x2710;
	s19 =	simm.s32 $0x4E20  }
0x5: {  	s20 =	simm.s32 $0x50;
	s21 =	simm.s32 $0x1;
	s22 =	simm.s32 $0x6220  }
0x6: {  	s23 =	simm.s32 $0x2;
	s24 =	simm.s32 $0x2760;
	s25 =	simm.s32 $0x3  }
0x7: {  	s26 =	simm.s32 $0xA0;
	s28 =	simm.s32 $0x4;
	s29 =	simm.s32 $0x4DD0  }
0x8: {  	s30 =	simm.s32 $0x0;
	s5 =	sand.u32 $0x1, s3;
	s7 =	smul.u32 $0xA000, s1  }
0x9: {  	s3 =	simm.s32 $0x0;
	s9 =	smul.u32 $0x28000, s1;
	s4 =	sshll.u32 s5, $0x4  }
0xa: {  	[smem:$0x7FF] =	sst s3;
	s6 =	smul.u32 $0xA0000, s5;
	s5 =	ssub.s32 $0x2, s5  }
0xb: {  	s4 =	sor.u32 s1, s4;
	_ =	strace $0x8000004A;
	s31 =	sshrl.u32 s5, $0x1  }
0xc: {  	s9 =	sshrl.u32 s9, $0x2;
	s8 =	smul.u32 $0x4E2, s4;
	s4 =	sadd.s32 $0x14800, s0  }
0xd: {  	s6 =	sadd.s32 s7, s6;
	s16 =	ssub.s32 s5, s31;
	s14 =	sadd.s32 s9, s2  }
0xe: {  	s7 =	sadd.s32 s7, s2;
	s6 =	sshrl.u32 s6, $0x3;
	s9 =	sadd.s32 $0x2800, s14  }
0xf: {  	s10 =	sadd.s32 $0x3C00, s14;
	s11 =	sadd.s32 $0x5000, s14;
	s12 =	sadd.s32 $0x6400, s14  }
0x10: {  	s13 =	sadd.s32 $0x7800, s14;
	s16 =	smax.u32 s16, $0x1;
	s8 =	sadd.s32 s8, s0  }
0x11: {  	s0 =	sadd.s32 s6, s0;
	s5 =	sadd.s32 $0xC00, s8;
	s6 =	sadd.s32 $0xAA00, s8  }
0x12: {  	v0 =	vimm.f32 $0.0e+00;
	s8 =	sadd.s32 $0x1400, s14;
	s14 =	sadd.s32 $0x8C00, s14;
	s15 =	sadd.s32 $0x28800, s0  }
.LBB2_1:
0x13: {  	[tilespmem:s3], [sflag:$0x5] =	stream.linear.gather [hbm4b:s5+s3], $0x2710, $0x38;
	[tilespmem:$0x11620] =	vst v63  }
0x14: {  	_ =	swait.ge [sflag:s17], $0x2710  }
0x15: {  	[sflag:s17] =	ssyncset.done $0x0  }
0x16: {  	[sflag:s17] =	ssyncadd.s32 $0xFFFFD8F0  }
0x17: {  	[tilespmem:s18], [sflag:$0x5] =	stream.linear.gather [hbm4b:s6+s3], $0x2710, $0x38;
	[tilespmem:$0x11620] =	vst v63  }
0x18: {  	_ =	swait.ge [sflag:s17], $0x2710  }
0x19: {  	[sflag:s17] =	ssyncset.done $0x0  }
0x1a: {  	s0 =	simm.s32 $0x100;
	s31 =	simm.s32 $0x0;
	[sflag:s17] =	ssyncadd.s32 $0xFFFFD8F0  }
.LBB2_2:
0x1b: {  	p0 =	sne.s32 s0, $0x4F00;
	[tilespmem:s31+$0x4E50] =	vst v0;
	s1 =	smov.u32 s0;
	s0 =	sadd.s32 $0x100, s0  }
.Ltmp0:
0x1c: {  	[tilespmem:s31+$0x4E40] =	vst v0;
	(pc) =	sbr.rel @p0 .LBB2_2-.Ltmp0, $3  }
0x1d: {  	[tilespmem:s31+$0x4E20] =	vst v0  }
0x1e: {  	[tilespmem:s31+$0x4E30] =	vst v0;
	_ =	sdelay $0x1  }
0x1f: {  	s31 =	sshra.s32 s1, $0x2  }
0x20: {  	[tilespmem:s31+$0x4E50] =	vst v0  }
0x21: {  	[tilespmem:s31+$0x4E40] =	vst v0  }
0x22: {  	[tilespmem:s31+$0x4E20] =	vst v0  }
0x23: {  	[tilespmem:s31+$0x4E30] =	vst v0  }
0x24: {  	[spmem:s7] =	stream.linear.scatter [tilespmem:s19], [sflag:$0x5], $0x1400, $0x38;
	[tilespmem:$0x11620] =	vst v63  }
0x25: {  	_ =	swait.ge [sflag:s17], $0x1400  }
0x26: {  	[sflag:s17] =	ssyncset.done $0x0  }
0x27: {  	[sflag:s17] =	ssyncadd.s32 $0xFFFFEC00  }
0x28: {  	[spmem:s8] =	stream.linear.scatter [tilespmem:s19], [sflag:$0x5], $0x1400, $0x38;
	[tilespmem:$0x11620] =	vst v63  }
0x29: {  	_ =	swait.ge [sflag:s17], $0x1400  }
0x2a: {  	[sflag:s17] =	ssyncset.done $0x0  }
0x2b: {  	[sflag:s17] =	ssyncadd.s32 $0xFFFFEC00  }
0x2c: {  	[spmem:s9] =	stream.linear.scatter [tilespmem:s19], [sflag:$0x5], $0x1400, $0x38;
	[tilespmem:$0x11620] =	vst v63  }
0x2d: {  	_ =	swait.ge [sflag:s17], $0x1400  }
0x2e: {  	[sflag:s17] =	ssyncset.done $0x0  }
0x2f: {  	[sflag:s17] =	ssyncadd.s32 $0xFFFFEC00  }
0x30: {  	[spmem:s10] =	stream.linear.scatter [tilespmem:s19], [sflag:$0x5], $0x1400, $0x38;
	[tilespmem:$0x11620] =	vst v63  }
0x31: {  	_ =	swait.ge [sflag:s17], $0x1400  }
0x32: {  	[sflag:s17] =	ssyncset.done $0x0  }
0x33: {  	[sflag:s17] =	ssyncadd.s32 $0xFFFFEC00  }
0x34: {  	[spmem:s11] =	stream.linear.scatter [tilespmem:s19], [sflag:$0x5], $0x1400, $0x38;
	[tilespmem:$0x11620] =	vst v63  }
0x35: {  	_ =	swait.ge [sflag:s17], $0x1400  }
0x36: {  	[sflag:s17] =	ssyncset.done $0x0  }
0x37: {  	[sflag:s17] =	ssyncadd.s32 $0xFFFFEC00  }
0x38: {  	[spmem:s12] =	stream.linear.scatter [tilespmem:s19], [sflag:$0x5], $0x1400, $0x38;
	[tilespmem:$0x11620] =	vst v63  }
0x39: {  	_ =	swait.ge [sflag:s17], $0x1400  }
0x3a: {  	[sflag:s17] =	ssyncset.done $0x0  }
0x3b: {  	[sflag:s17] =	ssyncadd.s32 $0xFFFFEC00  }
0x3c: {  	[spmem:s13] =	stream.linear.scatter [tilespmem:s19], [sflag:$0x5], $0x1400, $0x38;
	[tilespmem:$0x11620] =	vst v63  }
0x3d: {  	_ =	swait.ge [sflag:s17], $0x1400  }
0x3e: {  	[sflag:s17] =	ssyncset.done $0x0  }
0x3f: {  	[sflag:s17] =	ssyncadd.s32 $0xFFFFEC00  }
0x40: {  	[spmem:s14] =	stream.linear.scatter [tilespmem:s19], [sflag:$0x5], $0x1400, $0x38;
	[tilespmem:$0x11620] =	vst v63  }
0x41: {  	_ =	swait.ge [sflag:s17], $0x1400  }
0x42: {  	[sflag:s17] =	ssyncset.done $0x0  }
0x43: {  	[sflag:s17] =	ssyncadd.s32 $0xFFFFEC00  }
0x44: {  	[bflag:$0x0] =	sbarrier.arrive $0xFFFF  }
0x45: {  	[tilespmem:s19], [sflag:$0x1] =	stream.indirect.gather [hbm4b:s4+s20], $0x40, s3, s20, $0xb8;
	[tilespmem:$0x11620] =	vst v63  }
0x46: {  	_ =	swait.ge [sflag:s21], $0x1400  }
0x47: {  	[sflag:s21] =	ssyncset.done $0x0  }
0x48: {  	[sflag:s21] =	ssyncadd.s32 $0xFFFFEC00  }
0x49: {  	[spmem:s2] =	stream.indirect.scatter.add.f32 [tilespmem:s19], [sflag:$0x3], $0x40, s18, s20, $0xb8;
	[tilespmem:$0x11620] =	vst v63  }
0x4a: {  	_ = 	snop  }
0x4b: {  	[tilespmem:s22], [sflag:$0x2] =	stream.indirect.gather [hbm4b:s4+s20], $0x40, s20, s20, $0xb8;
	[tilespmem:$0x11620] =	vst v63  }
0x4c: {  	_ =	swait.ge [sflag:s23], $0x1400  }
0x4d: {  	[sflag:s23] =	ssyncset.done $0x0  }
0x4e: {  	[sflag:s23] =	ssyncadd.s32 $0xFFFFEC00  }
0x4f: {  	[spmem:s2] =	stream.indirect.scatter.add.f32 [tilespmem:s22], [sflag:$0x4], $0x40, s24, s20, $0xb8;
	[tilespmem:$0x11620] =	vst v63  }
0x50: {  	_ =	swait.ge [sflag:s25], $0x1400  }
0x51: {  	[sflag:s25] =	ssyncset.done $0x0  }
0x52: {  	[sflag:s25] =	ssyncadd.s32 $0xFFFFEC00  }
0x53: {  	[tilespmem:s19], [sflag:$0x1] =	stream.indirect.gather [hbm4b:s4+s20], $0x40, s26, s20, $0xb8;
	[tilespmem:$0x11620] =	vst v63  }
0x54: {  	_ =	swait.ge [sflag:s21], $0x1400  }
0x55: {  	[sflag:s21] =	ssyncset.done $0x0  }
0x56: {  	s0 =	simm.s32 $0x27B0;
	[sflag:s21] =	ssyncadd.s32 $0xFFFFEC00  }
0x57: {  	[spmem:s2] =	stream.indirect.scatter.add.f32 [tilespmem:s19], [sflag:$0x3], $0x40, s0, s20, $0xb8;
	[tilespmem:$0x11620] =	vst v63  }
0x58: {  	_ =	swait.ge [sflag:s28], $0x1400  }
0x59: {  	[sflag:s28] =	ssyncset.done $0x0  }
0x5a: {  	s1 =	simm.s32 $0xF0;
	[sflag:s28] =	ssyncadd.s32 $0xFFFFEC00  }
0x5b: {  	[tilespmem:s22], [sflag:$0x2] =	stream.indirect.gather [hbm4b:s4+s20], $0x40, s1, s20, $0xb8;
	[tilespmem:$0x11620] =	vst v63  }
0x5c: {  	_ =	swait.ge [sflag:s23], $0x1400  }
0x5d: {  	[sflag:s23] =	ssyncset.done $0x0  }
0x5e: {  	s1 =	simm.s32 $0x2800;
	[sflag:s23] =	ssyncadd.s32 $0xFFFFEC00  }
0x5f: {  	[spmem:s2] =	stream.indirect.scatter.add.f32 [tilespmem:s22], [sflag:$0x4], $0x40, s1, s20, $0xb8;
	[tilespmem:$0x11620] =	vst v63  }
0x60: {  	_ =	swait.ge [sflag:s25], $0x1400  }
0x61: {  	[sflag:s25] =	ssyncset.done $0x0  }
0x62: {  	s31 =	simm.s32 $0xFFFF6A00;
	s0 =	simm.s32 $0x140;
	[sflag:s25] =	ssyncadd.s32 $0xFFFFEC00  }
.LBB2_4:
0x63: {  	[tilespmem:s19], [sflag:$0x1] =	stream.indirect.gather [hbm4b:s4+s20], $0x40, s0, s20, $0xb8;
	[tilespmem:$0x11620] =	vst v63  }
0x64: {  	s0 =	smov.u32 s31  }
0x65: {  	p0 =	sne.s32 s31, $0xFFFFFD80;
	s31 =	sadd.s32 $0x280, s31;
	_ =	swait.ge [sflag:s21], $0x1400  }
0x66: {  	s0 =	sshra.s32 s0, $0x2;
	[sflag:s21] =	ssyncset.done $0x0  }
0x67: {  	s1 =	sadd.s32 $0x4DD0, s0;
	[sflag:s21] =	ssyncadd.s32 $0xFFFFEC00  }
0x68: {  	[spmem:s2] =	stream.indirect.scatter.add.f32 [tilespmem:s19], [sflag:$0x3], $0x40, s1, s20, $0xb8;
	[tilespmem:$0x11620] =	vst v63  }
0x69: {  	_ =	swait.ge [sflag:s28], $0x1400  }
0x6a: {  	[sflag:s28] =	ssyncset.done $0x0  }
0x6b: {  	s1 =	sadd.s32 $0x2710, s0;
	[sflag:s28] =	ssyncadd.s32 $0xFFFFEC00  }
0x6c: {  	[tilespmem:s22], [sflag:$0x2] =	stream.indirect.gather [hbm4b:s4+s20], $0x40, s1, s20, $0xb8;
	[tilespmem:$0x11620] =	vst v63  }
0x6d: {  	_ =	swait.ge [sflag:s23], $0x1400  }
0x6e: {  	[sflag:s23] =	ssyncset.done $0x0  }
.Ltmp1:
0x6f: {  	s1 =	sadd.s32 $0x4E20, s0;
	[sflag:s23] =	ssyncadd.s32 $0xFFFFEC00;
	(pc) =	sbr.rel @p0 .LBB2_4-.Ltmp1, $4  }
0x70: {  	[spmem:s2] =	stream.indirect.scatter.add.f32 [tilespmem:s22], [sflag:$0x4], $0x40, s1, s20, $0xb8;
	[tilespmem:$0x11620] =	vst v63  }
0x71: {  	_ =	swait.ge [sflag:s25], $0x1400  }
0x72: {  	[sflag:s25] =	ssyncset.done $0x0  }
0x73: {  	s0 =	sadd.s32 $0x2760, s0;
	[sflag:s25] =	ssyncadd.s32 $0xFFFFEC00  }
0x74: {  	[tilespmem:s19], [sflag:$0x1] =	stream.indirect.gather [hbm4b:s4+s20], $0x40, s0, s20, $0xb8;
	[tilespmem:$0x11620] =	vst v63  }
0x75: {  	_ =	swait.ge [sflag:s21], $0x1400  }
0x76: {  	[sflag:s21] =	ssyncset.done $0x0  }
0x77: {  	[sflag:s21] =	ssyncadd.s32 $0xFFFFEC00  }
0x78: {  	[spmem:s2] =	stream.indirect.scatter.add.f32 [tilespmem:s19], [sflag:$0x3], $0x40, s29, s20, $0xb8;
	[tilespmem:$0x11620] =	vst v63  }
0x79: {  	_ =	swait.ge [sflag:s28], $0x1400  }
0x7a: {  	[sflag:s28] =	ssyncset.done $0x0  }
0x7b: {  	[sflag:s28] =	ssyncadd.s32 $0xFFFFEC00  }
0x7c: {  	s31 =	stileid.u32;
	_ =	swait.ge [sflag:s25], $0x1400  }
0x7d: {  	s1 =	sshrl.u32 s7, $0x3;
	s30 =	sadd.s32 $0x1, s30;
	[sflag:s25] =	ssyncset.done $0x0  }
0x7e: {  	s0 =	sshll.u32 s31, $0x6;
	p0 =	sne.s32 s30, s16;
	[sflag:s25] =	ssyncadd.s32 $0xFFFFEC00  }
.Ltmp2:
0x7f: {  	s0 =	sor.u32 $0x1C05, s0;
	[bflag:$0x0] =	sbarrier.arrive $0xFFFF;
	(pc) =	sbr.rel @p0 .LBB2_1-.Ltmp2, $4  }
0x80: {  	[hbm:s15], [sflag:s0] =	dma.local [spmem:s1], $0x1400  }
0x81: {  	_ =	swait.ge [sflag:s17], $0x1400  }
0x82: {  	[sflag:s17] =	ssyncset.done $0x0  }
0x83: {  	[sflag:s17] =	ssyncadd.s32 $0xFFFFEC00  }
0x84: {  	_ =	sfence.sel $0x180000  }
0x85: {  	[bflag:$0x0] =	sbarrier.arrive $0xFFFF  }
0x86: {  	_ =	strace $0x9000004A  }
0x87: {  	s0 =	stileid.u32;
	[bflag:$0x2] =	sbarrier.arrive $0xFFFF  }
0x88: {  	p0 =	sne.s32 s0, $0x0;
	s0 =	rddreg [dreg:$0x2]  }
0x89: {  	s0 =	sadd.s32 @!p0 $0x100000, s0  }
0x8a: {  	[sflag:s0] =	ssyncadd.tile.s32 @!p0 $0x1;
	_ =	shalt  }
.Lfunc_end2:
_tile_overlayer_lowered:
.L_overlay_start_2:
0x8b: {  	(tag) =	ssettag $0x2  }
0x8c: {  	s0 =	rddreg [dreg:$0x0];
	s2 =	stileid.u32  }
0x8d: {  	s1 =	rddreg [dreg:$0x1];
	p0 =	sne.s32 s2, $0x0  }
0x8e: {  	s3 =	rddreg [dreg:$0x2];
	[bflag:$0x3] =	sbarrier.arrive $0xFFFF;
	s2 =	simm.s32 @!p0 $0x1C05  }
0x8f: {  	[timem:s3], [sflag:s2] =	dma.local @!p0 [hbm:s0], s1  }
0x90: {  	s0 =	simm.s32 @!p0 $0x5  }
0x91: {  	_ =	swait.ge @!p0 [sflag:s0], s1  }
0x92: {  	s1 =	ssub.s32 @!p0 $0x0, s1;
	[sflag:s0] =	ssyncset.done @!p0 $0x0  }
0x93: {  	[sflag:s0] =	ssyncadd.s32 @!p0 s1  }
0x94: {  	[bflag:$0x3] =	sbarrier.arrive $0xFFFF  }
0x95: {  	_ =	shalt  }

</sc_bundles>
